<compile_context>
chip_gen: v7x
topology: tpu7x:2x2x1
jax: 0.10.2.dev20260603
libtpu: 0.0.44.dev20260713+nightly
codegen_flags: <defaults>
</compile_context>

<pallas_src>
import functools
import jax
import jax.numpy as jnp
from jax import lax
from jax.experimental import pallas as pl
from jax.experimental.pallas import tpu as pltpu
from jax.experimental.pallas import tpu_sc as plsc

N = 10000
E = 320000
D = 128
NPAD = 10240
NC = 2
NS = 16
NW = NC * NS
EPT = E // NW
CH = 2000
NCH = EPT // CH
SPT = NPAD // NS
BLK = 1024
GRID = NPAD // BLK

_mesh = plsc.VectorSubcoreMesh(core_axis_name="c", subcore_axis_name="s")
_f32 = jnp.float32
_sc_params = pltpu.CompilerParams(use_tc_tiling_on_sc=False,
                                  needs_layout_passes=False)



@functools.partial(
    pl.kernel,
    out_type=jax.ShapeDtypeStruct((2, NC, NPAD), _f32),
    mesh=_mesh,
    scratch_types=[
        pltpu.VMEM((EPT,), jnp.int32),
        pltpu.VMEM((EPT,), jnp.int32),
        pltpu.VMEM((EPT,), _f32),
        pltpu.VMEM_SHARED((NPAD,), _f32),
        pltpu.VMEM_SHARED((NPAD,), _f32),
        pltpu.SemaphoreType.DMA,
        pltpu.SemaphoreType.DMA,
    ],
    compiler_params=_sc_params,
)
def _sc_hist(dst_p, dst_l, ones_hbm, z1_hbm, hist_out, idx_p, idx_l, ones_v,
             acc_p, acc_l, sem, sem_s):
    c = lax.axis_index("c")
    s = lax.axis_index("s")
    sl = pl.ds(s * SPT, SPT)
    base = (s * NC + c) * EPT
    descs = [
        pltpu.async_copy(dst_p.at[pl.ds(base, EPT)], idx_p, sem),
        pltpu.async_copy(dst_l.at[pl.ds(base, EPT)], idx_l, sem),
        pltpu.async_copy(ones_hbm, ones_v, sem),
    ]
    pltpu.sync_copy(z1_hbm.at[sl], acc_p.at[sl])
    pltpu.sync_copy(z1_hbm.at[sl], acc_l.at[sl])
    for d in descs:
        d.wait()
    plsc.subcore_barrier()
    sp = pltpu.async_copy(ones_v, acc_p.at[idx_p], sem_s, add=True)
    sl2 = pltpu.async_copy(ones_v, acc_l.at[idx_l], sem_s, add=True)
    sp.wait()
    sl2.wait()
    plsc.subcore_barrier()
    pltpu.sync_copy(acc_p.at[sl], hist_out.at[0].at[c].at[sl])
    pltpu.sync_copy(acc_l.at[sl], hist_out.at[1].at[c].at[sl])



def _tc1_body(hist_ref, xp_ref, xl_ref, wp_ref, wl_ref, hp_ref, hl_ref, dinv_ref):
    hist = hist_ref[...]
    deg = hist[:, 0] + hist[:, 1] + 1.0
    dinv = lax.rsqrt(deg)
    dinv_ref[...] = dinv
    hp_ref[...] = jnp.dot(xp_ref[...], wp_ref[...],
                          preferred_element_type=_f32) * dinv[0]
    hl_ref[...] = jnp.dot(xl_ref[...], wl_ref[...],
                          preferred_element_type=_f32) * dinv[1]


def _tc1(hist4, xp, xl, wp, wl):
    return pl.pallas_call(
        _tc1_body,
        grid=(GRID,),
        in_specs=[
            pl.BlockSpec((2, NC, BLK, 1), lambda i: (0, 0, i, 0)),
            pl.BlockSpec((BLK, D), lambda i: (i, 0)),
            pl.BlockSpec((BLK, D), lambda i: (i, 0)),
            pl.BlockSpec((D, 16), lambda i: (0, 0)),
            pl.BlockSpec((D, 16), lambda i: (0, 0)),
        ],
        out_specs=[
            pl.BlockSpec((BLK, 16), lambda i: (i, 0)),
            pl.BlockSpec((BLK, 16), lambda i: (i, 0)),
            pl.BlockSpec((2, BLK, 1), lambda i: (0, i, 0)),
        ],
        out_shape=[
            jax.ShapeDtypeStruct((NPAD, 16), _f32),
            jax.ShapeDtypeStruct((NPAD, 16), _f32),
            jax.ShapeDtypeStruct((2, NPAD, 1), _f32),
        ],
    )(hist4, xp, xl, wp, wl)



@functools.partial(
    pl.kernel,
    out_type=[
        jax.ShapeDtypeStruct((NC, NPAD, 16), _f32),
        jax.ShapeDtypeStruct((NC, NPAD, 16), _f32),
        jax.ShapeDtypeStruct((NC, NPAD), _f32),
        jax.ShapeDtypeStruct((NC, NPAD), _f32),
    ],
    mesh=_mesh,
    scratch_types=[
        pltpu.VMEM((EPT,), jnp.int32),
        pltpu.VMEM((NCH, CH), jnp.int32),
        pltpu.VMEM((CH, 16), _f32),
        pltpu.VMEM((CH, 16), _f32),
        pltpu.VMEM((NPAD,), _f32),
        pltpu.VMEM((EPT,), _f32),
        pltpu.VMEM_SHARED((NPAD, 16), _f32),
        pltpu.VMEM_SHARED((NPAD, 16), _f32),
        pltpu.VMEM_SHARED((NPAD,), _f32),
        pltpu.VMEM_SHARED((NPAD,), _f32),
        pltpu.SemaphoreType.DMA,
        pltpu.SemaphoreType.DMA,
        pltpu.SemaphoreType.DMA,
        pltpu.SemaphoreType.DMA,
        pltpu.SemaphoreType.DMA,
        pltpu.SemaphoreType.DMA,
    ],
    compiler_params=_sc_params,
)
def _sc_edges(src_p, dst_p, src_l, dst_l, hp, hl, dvp, dvl, z16_hbm, z1_hbm,
              rop, rol, cop, col_,
              sidx, didx2d, rows0, rows1, dv_v, vals,
              racc_p, racc_l, cacc_p, cacc_l,
              sem_i, sem_g0, sem_g1, sem_s0, sem_s1, sem_c):
    c = lax.axis_index("c")
    s = lax.axis_index("s")
    sl = pl.ds(s * SPT, SPT)
    base = (s * NC + c) * EPT
    rows_bufs = (rows0, rows1)
    gsems = (sem_g0, sem_g1)
    ssems = (sem_s0, sem_s1)

    def fire_idx_loads(sref, dref, dvref):
        descs = [pltpu.async_copy(dvref, dv_v, sem_i),
                 pltpu.async_copy(sref.at[pl.ds(base, EPT)], sidx, sem_i)]
        for k in range(NCH):
            off = pl.ds(base + k * CH, CH)
            descs.append(pltpu.async_copy(dref.at[off], didx2d.at[k], sem_i))
        return descs

    graphs = (
        (src_p, dst_p, hp, dvp, racc_p, cacc_p),
        (src_l, dst_l, hl, dvl, racc_l, cacc_l),
    )
    descs = fire_idx_loads(graphs[0][0], graphs[0][1], graphs[0][3])
    pltpu.sync_copy(z16_hbm.at[sl], racc_p.at[sl])
    pltpu.sync_copy(z16_hbm.at[sl], racc_l.at[sl])
    pltpu.sync_copy(z1_hbm.at[sl], cacc_p.at[sl])
    pltpu.sync_copy(z1_hbm.at[sl], cacc_l.at[sl])
    plsc.subcore_barrier()
    cd = None
    for gi, (sref, dref, href, dvref, racc, cacc) in enumerate(graphs):
        if gi > 0:
            cd.wait()
            descs = fire_idx_loads(sref, dref, dvref)
        for d in descs:
            d.wait()

        for k in range(NCH):
            def vbody(j, _, k=k):
                iv = didx2d[k, pl.ds(j * 16, 16)]
                vals[pl.ds(k * CH + j * 16, 16)] = plsc.load_gather(dv_v, [iv])
                return 0
            lax.fori_loop(0, CH // 16, vbody, 0)
        cd = pltpu.async_copy(vals, cacc.at[sidx], sem_c, add=True)

        gd = [None, None]
        sd = [None, None]
        gd[0] = pltpu.async_copy(href.at[sidx.at[pl.ds(0, CH)]],
                                 rows_bufs[0], gsems[0])
        for k in range(NCH):
            b = k % 2
            nb = (k + 1) % 2
            gd[b].wait()
            if k + 1 < NCH:
                if sd[nb] is not None:
                    sd[nb].wait()
                gd[nb] = pltpu.async_copy(
                    href.at[sidx.at[pl.ds((k + 1) * CH, CH)]],
                    rows_bufs[nb], gsems[nb])
            sd[b] = pltpu.async_copy(rows_bufs[b], racc.at[didx2d.at[k]],
                                     ssems[b], add=True)
        for b in (0, 1):
            if sd[b] is not None:
                sd[b].wait()
    cd.wait()
    plsc.subcore_barrier()
    pltpu.sync_copy(racc_p.at[sl], rop.at[c].at[sl])
    pltpu.sync_copy(racc_l.at[sl], rol.at[c].at[sl])
    pltpu.sync_copy(cacc_p.at[sl], cop.at[c].at[sl])
    pltpu.sync_copy(cacc_l.at[sl], col_.at[c].at[sl])




def kernel(protein_x, protein_edge_index, ligand_x, ligand_edge_index, action,
           W_pin, b_pin, W_pout, b_pout, W_lin, b_lin, W_lout, b_lout,
           W1, b1, W2, b2, W3, b3):
    z1 = jnp.zeros((NPAD,), _f32)
    z16 = jnp.zeros((NPAD, 16), _f32)
    ones = jnp.ones((EPT,), _f32)
    xp = jnp.pad(protein_x, ((0, NPAD - N), (0, 0)))
    xl = jnp.pad(ligand_x, ((0, NPAD - N), (0, 0)))
    src_p, dst_p = protein_edge_index[0], protein_edge_index[1]
    src_l, dst_l = ligand_edge_index[0], ligand_edge_index[1]
    hist = _sc_hist(dst_p, dst_l, ones, z1)
    hp, hl, dinv = _tc1(hist.reshape(2, NC, NPAD, 1), xp, xl, W_pin, W_lin)
    dvp = dinv[0].reshape(NPAD)
    dvl = dinv[1].reshape(NPAD)
    rop, rol, cop, col_ = _sc_edges(src_p, dst_p, src_l, dst_l,
                                    hp, hl, dvp, dvl, z16, z1)

    def branch(h, dinvv, ro, co, bin_, Wout, bout):
        acc = ro[0][:N] + ro[1][:N] + h[:N]
        p1 = jax.nn.relu(dinvv[:N, None] * acc + bin_)
        c = dinvv[:N] * (co[0][:N] + co[1][:N] + dinvv[:N])
        s = c @ p1
        return (s @ Wout) / N + bout

    p = branch(hp, dvp, rop, cop, b_pin, W_pout, b_pout)
    l = branch(hl, dvl, rol, col_, b_lin, W_lout, b_lout)
    m = jnp.concatenate([p[None], l[None]], axis=1)
    fp = jax.nn.relu(m @ W1 + b1)
    pol = jnp.concatenate([fp, action], axis=1) @ W2 + b2
    return jax.nn.relu(pol) @ W3 + b3

# --- scband reference (transcript-rebuilt; emitter-appended) ---
"""Pipeline reference for scband-critic-gnn-25280177504283 (READ-ONLY COPY).

The authoritative reference and input builder live on the scoring server;
editing this copy changes nothing except your own understanding.
"""

import jax, jax.numpy as jnp
import numpy as np

N = 10000
E = 320000
D = 128
A = 40

def gcn(x, ei, W, b):
    n = x.shape[0]
    loop = jnp.arange(n, dtype=ei.dtype)
    src = jnp.concatenate([ei[0], loop])
    dst = jnp.concatenate([ei[1], loop])
    deg = jnp.zeros((n,), x.dtype).at[dst].add(1.0)
    dinv = jnp.where(deg > 0, jax.lax.rsqrt(deg), 0.0)
    norm = dinv[src] * dinv[dst]
    h = x @ W
    out = jnp.zeros((n, W.shape[1]), x.dtype).at[dst].add(h[src] * norm[:, None])
    return out + b

def setup_inputs(seed: int = 0):
    key = jax.random.key(seed)
    ks = jax.random.split(key, 24)
    def u(k, shape, fan):
        v = 1.0 / np.sqrt(fan)
        return jax.random.uniform(k, shape, jnp.float32, -v, v)
    return {
        "protein_x": jax.random.normal(ks[0], (N, D), jnp.float32),
        "protein_edge_index": jax.random.randint(ks[1], (2, E), 0, N, dtype=jnp.int32),
        "ligand_x": jax.random.normal(ks[2], (N, D), jnp.float32),
        "ligand_edge_index": jax.random.randint(ks[3], (2, E), 0, N, dtype=jnp.int32),
        "action": jax.random.normal(ks[4], (1, A), jnp.float32),
        "W_pin": u(ks[5], (D, 16), D), "b_pin": jnp.zeros((16,), jnp.float32),
        "W_pout": u(ks[6], (16, 50), 16), "b_pout": jnp.zeros((50,), jnp.float32),
        "W_lin": u(ks[7], (D, 16), D), "b_lin": jnp.zeros((16,), jnp.float32),
        "W_lout": u(ks[8], (16, 50), 16), "b_lout": jnp.zeros((50,), jnp.float32),
        "W1": u(ks[9], (100, 60), 100), "b1": jnp.zeros((60,), jnp.float32),
        "W2": u(ks[10], (60 + A, 10), 60 + A), "b2": jnp.zeros((10,), jnp.float32),
        "W3": jax.random.uniform(ks[11], (10, 1), jnp.float32, -0.003, 0.003), "b3": jnp.zeros((1,), jnp.float32),
    }

def reference(protein_x, protein_edge_index, ligand_x, ligand_edge_index, action,
              W_pin, b_pin, W_pout, b_pout, W_lin, b_lin, W_lout, b_lout,
              W1, b1, W2, b2, W3, b3):
    p = gcn(protein_x, protein_edge_index, W_pin, b_pin)
    p = jax.nn.relu(p)
    # dropout is identity in eval mode
    p = gcn(p, protein_edge_index, W_pout, b_pout)
    p = jnp.mean(p, axis=0, keepdims=True)  # global_mean_pool, single graph
    l = gcn(ligand_x, ligand_edge_index, W_lin, b_lin)
    l = jax.nn.relu(l)
    l = gcn(l, ligand_edge_index, W_lout, b_lout)
    l = jnp.mean(l, axis=0, keepdims=True)
    m = jnp.concatenate([p, l], axis=1)
    fp = jax.nn.relu(m @ W1 + b1)
    pol = jnp.concatenate([fp, action], axis=1) @ W2 + b2
    pol = jax.nn.relu(pol) @ W3 + b3
    return pol

if __name__ == "__main__":
    import jax
    _d = setup_inputs()
    print(jax.jit(kernel)(*tuple(_d.values())))

</pallas_src>

<mosaic_0001>
#map = affine_map<(d0, d1) -> (0)>
#map1 = affine_map<(d0, d1) -> (0, 0, 0)>
module attributes {stable_mosaic.version = 14 : i64} {
  func.func @_sc_hist(%arg0: i32, %arg1: i32, %arg2: memref<320000xi32, #tpu.memory_space<hbm>>, %arg3: memref<320000xi32, #tpu.memory_space<hbm>>, %arg4: memref<10000xf32, #tpu.memory_space<hbm>>, %arg5: memref<10240xf32, #tpu.memory_space<hbm>>, %arg6: memref<2x2x10240xf32, #tpu.memory_space<hbm>>, %arg7: memref<10000xi32, #tpu.memory_space<vmem>>, %arg8: memref<10000xi32, #tpu.memory_space<vmem>>, %arg9: memref<10000xf32, #tpu.memory_space<vmem>>, %arg10: memref<10240xf32, #tpu.memory_space<vmem_shared>>, %arg11: memref<10240xf32, #tpu.memory_space<vmem_shared>>, %arg12: memref<!tpu.dma_semaphore, #tpu.memory_space<semaphore_mem>>, %arg13: memref<!tpu.dma_semaphore, #tpu.memory_space<semaphore_mem>>) attributes {dimension_semantics = [#tpu.dimension_semantics<core_parallel>, #tpu.dimension_semantics<subcore_parallel>], iteration_bounds = array<i64: 2, 16>, scalar_prefetch = 0 : i64, scratch_operands = 7 : i64, tpu.core_type = #tpu.core_type<sc_vector_subcore>, window_params = [{transform_indices = #map}, {transform_indices = #map}, {transform_indices = #map}, {transform_indices = #map}, {transform_indices = #map1}]} {
    %mul3A = arith.constant 640 : i32
    %mul3A_0 = arith.muli %arg1, %mul3A : i32
    %mul3A_1 = arith.constant 2 : i32
    %mul3A_2 = arith.muli %arg1, %mul3A_1 : i32
    %add3A = arith.addi %mul3A_2, %arg0 : i32
    %mul3A_3 = arith.constant 10000 : i32
    %mul3A_4 = arith.muli %add3A, %mul3A_3 : i32
    %dma_start3A = tpu.memref_slice %arg2[%mul3A_4] : memref<320000xi32, #tpu.memory_space<hbm>> -> memref<10000xi32, #tpu.memory_space<hbm>>
    %dma_start3A_5 = tpu.memref_slice %arg2[%mul3A_4] : memref<320000xi32, #tpu.memory_space<hbm>> -> memref<10000xi32, #tpu.memory_space<hbm>>
    tpu.enqueue_dma source(%dma_start3A_5 : memref<10000xi32, #tpu.memory_space<hbm>>) target(%arg7 : memref<10000xi32, #tpu.memory_space<vmem>>) target_semaphore(%arg12 : memref<!tpu.dma_semaphore, #tpu.memory_space<semaphore_mem>>)
    %dma_start3A_6 = tpu.memref_slice %arg3[%mul3A_4] : memref<320000xi32, #tpu.memory_space<hbm>> -> memref<10000xi32, #tpu.memory_space<hbm>>
    %dma_start3A_7 = tpu.memref_slice %arg3[%mul3A_4] : memref<320000xi32, #tpu.memory_space<hbm>> -> memref<10000xi32, #tpu.memory_space<hbm>>
    tpu.enqueue_dma source(%dma_start3A_7 : memref<10000xi32, #tpu.memory_space<hbm>>) target(%arg8 : memref<10000xi32, #tpu.memory_space<vmem>>) target_semaphore(%arg12 : memref<!tpu.dma_semaphore, #tpu.memory_space<semaphore_mem>>)
    tpu.enqueue_dma source(%arg4 : memref<10000xf32, #tpu.memory_space<hbm>>) target(%arg9 : memref<10000xf32, #tpu.memory_space<vmem>>) target_semaphore(%arg12 : memref<!tpu.dma_semaphore, #tpu.memory_space<semaphore_mem>>)
    "tpu.region"() ({
      %run_scoped3A_21 = tpu.sem_alloc : memref<!tpu.dma_semaphore, #tpu.memory_space<semaphore_mem>>
      %dma_start3A_22 = tpu.memref_slice %arg10[%mul3A_0] : memref<10240xf32, #tpu.memory_space<vmem_shared>> -> memref<640xf32, #tpu.memory_space<vmem_shared>>
      %dma_start3A_23 = tpu.memref_slice %arg5[%mul3A_0] : memref<10240xf32, #tpu.memory_space<hbm>> -> memref<640xf32, #tpu.memory_space<hbm>>
      tpu.enqueue_dma source(%dma_start3A_23 : memref<640xf32, #tpu.memory_space<hbm>>) target(%dma_start3A_22 : memref<640xf32, #tpu.memory_space<vmem_shared>>) target_semaphore(%run_scoped3A_21 : memref<!tpu.dma_semaphore, #tpu.memory_space<semaphore_mem>>)
      %dma_wait3A_24 = tpu.memref_slice %arg10[%mul3A_0] : memref<10240xf32, #tpu.memory_space<vmem_shared>> -> memref<640xf32, #tpu.memory_space<vmem_shared>>
      %dma_wait3A_25 = tpu.memref_slice %arg5[%mul3A_0] : memref<10240xf32, #tpu.memory_space<hbm>> -> memref<640xf32, #tpu.memory_space<hbm>>
      tpu.wait_dma2 semaphore(%run_scoped3A_21 : memref<!tpu.dma_semaphore, #tpu.memory_space<semaphore_mem>>) src(%dma_wait3A_25 : memref<640xf32, #tpu.memory_space<hbm>>) dst(%dma_wait3A_24 : memref<640xf32, #tpu.memory_space<vmem_shared>>)
      tpu.yield
    }) : () -> ()
    "tpu.region"() ({
      %run_scoped3A_21 = tpu.sem_alloc : memref<!tpu.dma_semaphore, #tpu.memory_space<semaphore_mem>>
      %dma_start3A_22 = tpu.memref_slice %arg11[%mul3A_0] : memref<10240xf32, #tpu.memory_space<vmem_shared>> -> memref<640xf32, #tpu.memory_space<vmem_shared>>
      %dma_start3A_23 = tpu.memref_slice %arg5[%mul3A_0] : memref<10240xf32, #tpu.memory_space<hbm>> -> memref<640xf32, #tpu.memory_space<hbm>>
      tpu.enqueue_dma source(%dma_start3A_23 : memref<640xf32, #tpu.memory_space<hbm>>) target(%dma_start3A_22 : memref<640xf32, #tpu.memory_space<vmem_shared>>) target_semaphore(%run_scoped3A_21 : memref<!tpu.dma_semaphore, #tpu.memory_space<semaphore_mem>>)
      %dma_wait3A_24 = tpu.memref_slice %arg11[%mul3A_0] : memref<10240xf32, #tpu.memory_space<vmem_shared>> -> memref<640xf32, #tpu.memory_space<vmem_shared>>
      %dma_wait3A_25 = tpu.memref_slice %arg5[%mul3A_0] : memref<10240xf32, #tpu.memory_space<hbm>> -> memref<640xf32, #tpu.memory_space<hbm>>
      tpu.wait_dma2 semaphore(%run_scoped3A_21 : memref<!tpu.dma_semaphore, #tpu.memory_space<semaphore_mem>>) src(%dma_wait3A_25 : memref<640xf32, #tpu.memory_space<hbm>>) dst(%dma_wait3A_24 : memref<640xf32, #tpu.memory_space<vmem_shared>>)
      tpu.yield
    }) : () -> ()
    %dma_wait3A = tpu.memref_slice %arg2[%mul3A_4] : memref<320000xi32, #tpu.memory_space<hbm>> -> memref<10000xi32, #tpu.memory_space<hbm>>
    %dma_wait3A_8 = tpu.memref_slice %arg2[%mul3A_4] : memref<320000xi32, #tpu.memory_space<hbm>> -> memref<10000xi32, #tpu.memory_space<hbm>>
    tpu.wait_dma2 semaphore(%arg12 : memref<!tpu.dma_semaphore, #tpu.memory_space<semaphore_mem>>) src(%dma_wait3A_8 : memref<10000xi32, #tpu.memory_space<hbm>>) dst(%arg7 : memref<10000xi32, #tpu.memory_space<vmem>>)
    %dma_wait3A_9 = tpu.memref_slice %arg3[%mul3A_4] : memref<320000xi32, #tpu.memory_space<hbm>> -> memref<10000xi32, #tpu.memory_space<hbm>>
    %dma_wait3A_10 = tpu.memref_slice %arg3[%mul3A_4] : memref<320000xi32, #tpu.memory_space<hbm>> -> memref<10000xi32, #tpu.memory_space<hbm>>
    tpu.wait_dma2 semaphore(%arg12 : memref<!tpu.dma_semaphore, #tpu.memory_space<semaphore_mem>>) src(%dma_wait3A_10 : memref<10000xi32, #tpu.memory_space<hbm>>) dst(%arg8 : memref<10000xi32, #tpu.memory_space<vmem>>)
    tpu.wait_dma2 semaphore(%arg12 : memref<!tpu.dma_semaphore, #tpu.memory_space<semaphore_mem>>) src(%arg4 : memref<10000xf32, #tpu.memory_space<hbm>>) dst(%arg9 : memref<10000xf32, #tpu.memory_space<vmem>>)
    %barrier3A = arith.constant 0 : index
    tpu.barrier barrier_id(%barrier3A)
    %dma_start3A_11 = arith.constant 0 : i32
    %dma_start3A_12 = tpu.memref_slice %arg10[%dma_start3A_11] : memref<10240xf32, #tpu.memory_space<vmem_shared>> -> memref<10240xf32, #tpu.memory_space<vmem_shared>>
    tpu.enqueue_indirect_dma source(%arg9 : memref<10000xf32, #tpu.memory_space<vmem>>) target(%dma_start3A_12 : memref<10240xf32, #tpu.memory_space<vmem_shared>>) offsets(%arg7 : memref<10000xi32, #tpu.memory_space<vmem>>) semaphore(%arg13 : memref<!tpu.dma_semaphore, #tpu.memory_space<semaphore_mem>>) {add = true}
    %dma_start3A_13 = arith.constant 0 : i32
    %dma_start3A_14 = tpu.memref_slice %arg11[%dma_start3A_13] : memref<10240xf32, #tpu.memory_space<vmem_shared>> -> memref<10240xf32, #tpu.memory_space<vmem_shared>>
    tpu.enqueue_indirect_dma source(%arg9 : memref<10000xf32, #tpu.memory_space<vmem>>) target(%dma_start3A_14 : memref<10240xf32, #tpu.memory_space<vmem_shared>>) offsets(%arg8 : memref<10000xi32, #tpu.memory_space<vmem>>) semaphore(%arg13 : memref<!tpu.dma_semaphore, #tpu.memory_space<semaphore_mem>>) {add = true}
    %dma_wait3A_15 = arith.constant 0 : i32
    %dma_wait3A_16 = tpu.memref_slice %arg10[%dma_wait3A_15] : memref<10240xf32, #tpu.memory_space<vmem_shared>> -> memref<10240xf32, #tpu.memory_space<vmem_shared>>
    tpu.wait_indirect_dma semaphore(%arg13 : memref<!tpu.dma_semaphore, #tpu.memory_space<semaphore_mem>>) src(%arg9 : memref<10000xf32, #tpu.memory_space<vmem>>) dst(%dma_wait3A_16 : memref<10240xf32, #tpu.memory_space<vmem_shared>>)
    %dma_wait3A_17 = arith.constant 0 : i32
    %dma_wait3A_18 = tpu.memref_slice %arg11[%dma_wait3A_17] : memref<10240xf32, #tpu.memory_space<vmem_shared>> -> memref<10240xf32, #tpu.memory_space<vmem_shared>>
    tpu.wait_indirect_dma semaphore(%arg13 : memref<!tpu.dma_semaphore, #tpu.memory_space<semaphore_mem>>) src(%arg9 : memref<10000xf32, #tpu.memory_space<vmem>>) dst(%dma_wait3A_18 : memref<10240xf32, #tpu.memory_space<vmem_shared>>)
    %barrier3A_19 = arith.constant 0 : index
    tpu.barrier barrier_id(%barrier3A_19)
    %run_scoped3A = arith.constant 0 : i32
    "tpu.region"() ({
      %run_scoped3A_21 = tpu.sem_alloc : memref<!tpu.dma_semaphore, #tpu.memory_space<semaphore_mem>>
      %dma_start3A_22 = arith.constant 0 : i32
      %dma_start3A_23 = arith.constant 0 : i32
      %dma_start3A_24 = tpu.memref_slice %arg6[%run_scoped3A, %dma_start3A_22, %dma_start3A_23] : memref<2x2x10240xf32, #tpu.memory_space<hbm>> -> memref<1x2x10240xf32, #tpu.memory_space<hbm>>
      %dma_start3A_25 = tpu.memref_squeeze %dma_start3A_24 : memref<1x2x10240xf32, #tpu.memory_space<hbm>> -> memref<2x10240xf32, #tpu.memory_space<hbm>>
      %dma_start3A_26 = arith.constant 0 : i32
      %dma_start3A_27 = tpu.memref_slice %dma_start3A_25[%arg0, %dma_start3A_26] : memref<2x10240xf32, #tpu.memory_space<hbm>> -> memref<1x10240xf32, #tpu.memory_space<hbm>>
      %dma_start3A_28 = tpu.memref_squeeze %dma_start3A_27 : memref<1x10240xf32, #tpu.memory_space<hbm>> -> memref<10240xf32, #tpu.memory_space<hbm>>
      %dma_start3A_29 = tpu.memref_slice %dma_start3A_28[%mul3A_0] : memref<10240xf32, #tpu.memory_space<hbm>> -> memref<640xf32, #tpu.memory_space<hbm>>
      %dma_start3A_30 = tpu.memref_slice %arg10[%mul3A_0] : memref<10240xf32, #tpu.memory_space<vmem_shared>> -> memref<640xf32, #tpu.memory_space<vmem_shared>>
      tpu.enqueue_dma source(%dma_start3A_30 : memref<640xf32, #tpu.memory_space<vmem_shared>>) target(%dma_start3A_29 : memref<640xf32, #tpu.memory_space<hbm>>) target_semaphore(%run_scoped3A_21 : memref<!tpu.dma_semaphore, #tpu.memory_space<semaphore_mem>>)
      %dma_wait3A_31 = arith.constant 0 : i32
      %dma_wait3A_32 = arith.constant 0 : i32
      %dma_wait3A_33 = tpu.memref_slice %arg6[%run_scoped3A, %dma_wait3A_31, %dma_wait3A_32] : memref<2x2x10240xf32, #tpu.memory_space<hbm>> -> memref<1x2x10240xf32, #tpu.memory_space<hbm>>
      %dma_wait3A_34 = tpu.memref_squeeze %dma_wait3A_33 : memref<1x2x10240xf32, #tpu.memory_space<hbm>> -> memref<2x10240xf32, #tpu.memory_space<hbm>>
      %dma_wait3A_35 = arith.constant 0 : i32
      %dma_wait3A_36 = tpu.memref_slice %dma_wait3A_34[%arg0, %dma_wait3A_35] : memref<2x10240xf32, #tpu.memory_space<hbm>> -> memref<1x10240xf32, #tpu.memory_space<hbm>>
      %dma_wait3A_37 = tpu.memref_squeeze %dma_wait3A_36 : memref<1x10240xf32, #tpu.memory_space<hbm>> -> memref<10240xf32, #tpu.memory_space<hbm>>
      %dma_wait3A_38 = tpu.memref_slice %dma_wait3A_37[%mul3A_0] : memref<10240xf32, #tpu.memory_space<hbm>> -> memref<640xf32, #tpu.memory_space<hbm>>
      %dma_wait3A_39 = tpu.memref_slice %arg10[%mul3A_0] : memref<10240xf32, #tpu.memory_space<vmem_shared>> -> memref<640xf32, #tpu.memory_space<vmem_shared>>
      tpu.wait_dma2 semaphore(%run_scoped3A_21 : memref<!tpu.dma_semaphore, #tpu.memory_space<semaphore_mem>>) src(%dma_wait3A_39 : memref<640xf32, #tpu.memory_space<vmem_shared>>) dst(%dma_wait3A_38 : memref<640xf32, #tpu.memory_space<hbm>>)
      tpu.yield
    }) : () -> ()
    %run_scoped3A_20 = arith.constant 1 : i32
    "tpu.region"() ({
      %run_scoped3A_21 = tpu.sem_alloc : memref<!tpu.dma_semaphore, #tpu.memory_space<semaphore_mem>>
      %dma_start3A_22 = arith.constant 0 : i32
      %dma_start3A_23 = arith.constant 0 : i32
      %dma_start3A_24 = tpu.memref_slice %arg6[%run_scoped3A_20, %dma_start3A_22, %dma_start3A_23] : memref<2x2x10240xf32, #tpu.memory_space<hbm>> -> memref<1x2x10240xf32, #tpu.memory_space<hbm>>
      %dma_start3A_25 = tpu.memref_squeeze %dma_start3A_24 : memref<1x2x10240xf32, #tpu.memory_space<hbm>> -> memref<2x10240xf32, #tpu.memory_space<hbm>>
      %dma_start3A_26 = arith.constant 0 : i32
      %dma_start3A_27 = tpu.memref_slice %dma_start3A_25[%arg0, %dma_start3A_26] : memref<2x10240xf32, #tpu.memory_space<hbm>> -> memref<1x10240xf32, #tpu.memory_space<hbm>>
      %dma_start3A_28 = tpu.memref_squeeze %dma_start3A_27 : memref<1x10240xf32, #tpu.memory_space<hbm>> -> memref<10240xf32, #tpu.memory_space<hbm>>
      %dma_start3A_29 = tpu.memref_slice %dma_start3A_28[%mul3A_0] : memref<10240xf32, #tpu.memory_space<hbm>> -> memref<640xf32, #tpu.memory_space<hbm>>
      %dma_start3A_30 = tpu.memref_slice %arg11[%mul3A_0] : memref<10240xf32, #tpu.memory_space<vmem_shared>> -> memref<640xf32, #tpu.memory_space<vmem_shared>>
      tpu.enqueue_dma source(%dma_start3A_30 : memref<640xf32, #tpu.memory_space<vmem_shared>>) target(%dma_start3A_29 : memref<640xf32, #tpu.memory_space<hbm>>) target_semaphore(%run_scoped3A_21 : memref<!tpu.dma_semaphore, #tpu.memory_space<semaphore_mem>>)
      %dma_wait3A_31 = arith.constant 0 : i32
      %dma_wait3A_32 = arith.constant 0 : i32
      %dma_wait3A_33 = tpu.memref_slice %arg6[%run_scoped3A_20, %dma_wait3A_31, %dma_wait3A_32] : memref<2x2x10240xf32, #tpu.memory_space<hbm>> -> memref<1x2x10240xf32, #tpu.memory_space<hbm>>
      %dma_wait3A_34 = tpu.memref_squeeze %dma_wait3A_33 : memref<1x2x10240xf32, #tpu.memory_space<hbm>> -> memref<2x10240xf32, #tpu.memory_space<hbm>>
      %dma_wait3A_35 = arith.constant 0 : i32
      %dma_wait3A_36 = tpu.memref_slice %dma_wait3A_34[%arg0, %dma_wait3A_35] : memref<2x10240xf32, #tpu.memory_space<hbm>> -> memref<1x10240xf32, #tpu.memory_space<hbm>>
      %dma_wait3A_37 = tpu.memref_squeeze %dma_wait3A_36 : memref<1x10240xf32, #tpu.memory_space<hbm>> -> memref<10240xf32, #tpu.memory_space<hbm>>
      %dma_wait3A_38 = tpu.memref_slice %dma_wait3A_37[%mul3A_0] : memref<10240xf32, #tpu.memory_space<hbm>> -> memref<640xf32, #tpu.memory_space<hbm>>
      %dma_wait3A_39 = tpu.memref_slice %arg11[%mul3A_0] : memref<10240xf32, #tpu.memory_space<vmem_shared>> -> memref<640xf32, #tpu.memory_space<vmem_shared>>
      tpu.wait_dma2 semaphore(%run_scoped3A_21 : memref<!tpu.dma_semaphore, #tpu.memory_space<semaphore_mem>>) src(%dma_wait3A_39 : memref<640xf32, #tpu.memory_space<vmem_shared>>) dst(%dma_wait3A_38 : memref<640xf32, #tpu.memory_space<hbm>>)
      tpu.yield
    }) : () -> ()
    return
  }
}

#map = affine_map<(d0, d1) -> (0)>
#map1 = affine_map<(d0, d1) -> (0, 0)>
#map2 = affine_map<(d0, d1) -> (0, 0, 0)>
module attributes {stable_mosaic.version = 14 : i64} {
  func.func @_sc_edges(%arg0: i32, %arg1: i32, %arg2: memref<320000xi32, #tpu.memory_space<hbm>>, %arg3: memref<320000xi32, #tpu.memory_space<hbm>>, %arg4: memref<320000xi32, #tpu.memory_space<hbm>>, %arg5: memref<320000xi32, #tpu.memory_space<hbm>>, %arg6: memref<10240x16xf32, #tpu.memory_space<hbm>>, %arg7: memref<10240x16xf32, #tpu.memory_space<hbm>>, %arg8: memref<10240xf32, #tpu.memory_space<hbm>>, %arg9: memref<10240xf32, #tpu.memory_space<hbm>>, %arg10: memref<10240x16xf32, #tpu.memory_space<hbm>>, %arg11: memref<10240xf32, #tpu.memory_space<hbm>>, %arg12: memref<2x10240x16xf32, #tpu.memory_space<hbm>>, %arg13: memref<2x10240x16xf32, #tpu.memory_space<hbm>>, %arg14: memref<2x10240xf32, #tpu.memory_space<hbm>>, %arg15: memref<2x10240xf32, #tpu.memory_space<hbm>>, %arg16: memref<10000xi32, #tpu.memory_space<vmem>>, %arg17: memref<5x2000xi32, #tpu.memory_space<vmem>>, %arg18: memref<2000x16xf32, #tpu.memory_space<vmem>>, %arg19: memref<2000x16xf32, #tpu.memory_space<vmem>>, %arg20: memref<10240xf32, #tpu.memory_space<vmem>>, %arg21: memref<10000xf32, #tpu.memory_space<vmem>>, %arg22: memref<10240x16xf32, #tpu.memory_space<vmem_shared>>, %arg23: memref<10240x16xf32, #tpu.memory_space<vmem_shared>>, %arg24: memref<10240xf32, #tpu.memory_space<vmem_shared>>, %arg25: memref<10240xf32, #tpu.memory_space<vmem_shared>>, %arg26: memref<!tpu.dma_semaphore, #tpu.memory_space<semaphore_mem>>, %arg27: memref<!tpu.dma_semaphore, #tpu.memory_space<semaphore_mem>>, %arg28: memref<!tpu.dma_semaphore, #tpu.memory_space<semaphore_mem>>, %arg29: memref<!tpu.dma_semaphore, #tpu.memory_space<semaphore_mem>>, %arg30: memref<!tpu.dma_semaphore, #tpu.memory_space<semaphore_mem>>, %arg31: memref<!tpu.dma_semaphore, #tpu.memory_space<semaphore_mem>>) attributes {dimension_semantics = [#tpu.dimension_semantics<core_parallel>, #tpu.dimension_semantics<subcore_parallel>], iteration_bounds = array<i64: 2, 16>, scalar_prefetch = 0 : i64, scratch_operands = 16 : i64, tpu.core_type = #tpu.core_type<sc_vector_subcore>, window_params = [{transform_indices = #map}, {transform_indices = #map}, {transform_indices = #map}, {transform_indices = #map}, {transform_indices = #map1}, {transform_indices = #map1}, {transform_indices = #map}, {transform_indices = #map}, {transform_indices = #map1}, {transform_indices = #map}, {transform_indices = #map2}, {transform_indices = #map2}, {transform_indices = #map1}, {transform_indices = #map1}]} {
    %mul3A = arith.constant 640 : i32
    %mul3A_0 = arith.muli %arg1, %mul3A : i32
    %mul3A_1 = arith.constant 2 : i32
    %mul3A_2 = arith.muli %arg1, %mul3A_1 : i32
    %add3A = arith.addi %mul3A_2, %arg0 : i32
    %mul3A_3 = arith.constant 10000 : i32
    %mul3A_4 = arith.muli %add3A, %mul3A_3 : i32
    tpu.enqueue_dma source(%arg8 : memref<10240xf32, #tpu.memory_space<hbm>>) target(%arg20 : memref<10240xf32, #tpu.memory_space<vmem>>) target_semaphore(%arg26 : memref<!tpu.dma_semaphore, #tpu.memory_space<semaphore_mem>>)
    %dma_start3A = tpu.memref_slice %arg2[%mul3A_4] : memref<320000xi32, #tpu.memory_space<hbm>> -> memref<10000xi32, #tpu.memory_space<hbm>>
    %dma_start3A_5 = tpu.memref_slice %arg2[%mul3A_4] : memref<320000xi32, #tpu.memory_space<hbm>> -> memref<10000xi32, #tpu.memory_space<hbm>>
    tpu.enqueue_dma source(%dma_start3A_5 : memref<10000xi32, #tpu.memory_space<hbm>>) target(%arg16 : memref<10000xi32, #tpu.memory_space<vmem>>) target_semaphore(%arg26 : memref<!tpu.dma_semaphore, #tpu.memory_space<semaphore_mem>>)
    %add3A_6 = arith.constant 0 : i32
    %add3A_7 = arith.addi %mul3A_4, %add3A_6 : i32
    %dma_start3A_8 = arith.constant 0 : i32
    %dma_start3A_9 = arith.constant 0 : i32
    %dma_start3A_10 = tpu.memref_slice %arg17[%dma_start3A_8, %dma_start3A_9] : memref<5x2000xi32, #tpu.memory_space<vmem>> -> memref<1x2000xi32, #tpu.memory_space<vmem>>
    %dma_start3A_11 = tpu.memref_squeeze %dma_start3A_10 : memref<1x2000xi32, #tpu.memory_space<vmem>> -> memref<2000xi32, #tpu.memory_space<vmem>>
    %dma_start3A_12 = tpu.memref_slice %arg3[%add3A_7] : memref<320000xi32, #tpu.memory_space<hbm>> -> memref<2000xi32, #tpu.memory_space<hbm>>
    %dma_start3A_13 = arith.constant 0 : i32
    %dma_start3A_14 = tpu.memref_slice %arg17[%dma_start3A_8, %dma_start3A_13] : memref<5x2000xi32, #tpu.memory_space<vmem>> -> memref<1x2000xi32, #tpu.memory_space<vmem>>
    %dma_start3A_15 = tpu.memref_squeeze %dma_start3A_14 : memref<1x2000xi32, #tpu.memory_space<vmem>> -> memref<2000xi32, #tpu.memory_space<vmem>>
    %dma_start3A_16 = tpu.memref_slice %arg3[%add3A_7] : memref<320000xi32, #tpu.memory_space<hbm>> -> memref<2000xi32, #tpu.memory_space<hbm>>
    tpu.enqueue_dma source(%dma_start3A_16 : memref<2000xi32, #tpu.memory_space<hbm>>) target(%dma_start3A_15 : memref<2000xi32, #tpu.memory_space<vmem>>) target_semaphore(%arg26 : memref<!tpu.dma_semaphore, #tpu.memory_space<semaphore_mem>>)
    %add3A_17 = arith.constant 2000 : i32
    %add3A_18 = arith.addi %mul3A_4, %add3A_17 : i32
    %dma_start3A_19 = arith.constant 1 : i32
    %dma_start3A_20 = arith.constant 0 : i32
    %dma_start3A_21 = tpu.memref_slice %arg17[%dma_start3A_19, %dma_start3A_20] : memref<5x2000xi32, #tpu.memory_space<vmem>> -> memref<1x2000xi32, #tpu.memory_space<vmem>>
    %dma_start3A_22 = tpu.memref_squeeze %dma_start3A_21 : memref<1x2000xi32, #tpu.memory_space<vmem>> -> memref<2000xi32, #tpu.memory_space<vmem>>
    %dma_start3A_23 = tpu.memref_slice %arg3[%add3A_18] : memref<320000xi32, #tpu.memory_space<hbm>> -> memref<2000xi32, #tpu.memory_space<hbm>>
    %dma_start3A_24 = arith.constant 0 : i32
    %dma_start3A_25 = tpu.memref_slice %arg17[%dma_start3A_19, %dma_start3A_24] : memref<5x2000xi32, #tpu.memory_space<vmem>> -> memref<1x2000xi32, #tpu.memory_space<vmem>>
    %dma_start3A_26 = tpu.memref_squeeze %dma_start3A_25 : memref<1x2000xi32, #tpu.memory_space<vmem>> -> memref<2000xi32, #tpu.memory_space<vmem>>
    %dma_start3A_27 = tpu.memref_slice %arg3[%add3A_18] : memref<320000xi32, #tpu.memory_space<hbm>> -> memref<2000xi32, #tpu.memory_space<hbm>>
    tpu.enqueue_dma source(%dma_start3A_27 : memref<2000xi32, #tpu.memory_space<hbm>>) target(%dma_start3A_26 : memref<2000xi32, #tpu.memory_space<vmem>>) target_semaphore(%arg26 : memref<!tpu.dma_semaphore, #tpu.memory_space<semaphore_mem>>)
    %add3A_28 = arith.constant 4000 : i32
    %add3A_29 = arith.addi %mul3A_4, %add3A_28 : i32
    %dma_start3A_30 = arith.constant 2 : i32
    %dma_start3A_31 = arith.constant 0 : i32
    %dma_start3A_32 = tpu.memref_slice %arg17[%dma_start3A_30, %dma_start3A_31] : memref<5x2000xi32, #tpu.memory_space<vmem>> -> memref<1x2000xi32, #tpu.memory_space<vmem>>
    %dma_start3A_33 = tpu.memref_squeeze %dma_start3A_32 : memref<1x2000xi32, #tpu.memory_space<vmem>> -> memref<2000xi32, #tpu.memory_space<vmem>>
    %dma_start3A_34 = tpu.memref_slice %arg3[%add3A_29] : memref<320000xi32, #tpu.memory_space<hbm>> -> memref<2000xi32, #tpu.memory_space<hbm>>
    %dma_start3A_35 = arith.constant 0 : i32
    %dma_start3A_36 = tpu.memref_slice %arg17[%dma_start3A_30, %dma_start3A_35] : memref<5x2000xi32, #tpu.memory_space<vmem>> -> memref<1x2000xi32, #tpu.memory_space<vmem>>
    %dma_start3A_37 = tpu.memref_squeeze %dma_start3A_36 : memref<1x2000xi32, #tpu.memory_space<vmem>> -> memref<2000xi32, #tpu.memory_space<vmem>>
    %dma_start3A_38 = tpu.memref_slice %arg3[%add3A_29] : memref<320000xi32, #tpu.memory_space<hbm>> -> memref<2000xi32, #tpu.memory_space<hbm>>
    tpu.enqueue_dma source(%dma_start3A_38 : memref<2000xi32, #tpu.memory_space<hbm>>) target(%dma_start3A_37 : memref<2000xi32, #tpu.memory_space<vmem>>) target_semaphore(%arg26 : memref<!tpu.dma_semaphore, #tpu.memory_space<semaphore_mem>>)
    %add3A_39 = arith.constant 6000 : i32
    %add3A_40 = arith.addi %mul3A_4, %add3A_39 : i32
    %dma_start3A_41 = arith.constant 3 : i32
    %dma_start3A_42 = arith.constant 0 : i32
    %dma_start3A_43 = tpu.memref_slice %arg17[%dma_start3A_41, %dma_start3A_42] : memref<5x2000xi32, #tpu.memory_space<vmem>> -> memref<1x2000xi32, #tpu.memory_space<vmem>>
    %dma_start3A_44 = tpu.memref_squeeze %dma_start3A_43 : memref<1x2000xi32, #tpu.memory_space<vmem>> -> memref<2000xi32, #tpu.memory_space<vmem>>
    %dma_start3A_45 = tpu.memref_slice %arg3[%add3A_40] : memref<320000xi32, #tpu.memory_space<hbm>> -> memref<2000xi32, #tpu.memory_space<hbm>>
    %dma_start3A_46 = arith.constant 0 : i32
    %dma_start3A_47 = tpu.memref_slice %arg17[%dma_start3A_41, %dma_start3A_46] : memref<5x2000xi32, #tpu.memory_space<vmem>> -> memref<1x2000xi32, #tpu.memory_space<vmem>>
    %dma_start3A_48 = tpu.memref_squeeze %dma_start3A_47 : memref<1x2000xi32, #tpu.memory_space<vmem>> -> memref<2000xi32, #tpu.memory_space<vmem>>
    %dma_start3A_49 = tpu.memref_slice %arg3[%add3A_40] : memref<320000xi32, #tpu.memory_space<hbm>> -> memref<2000xi32, #tpu.memory_space<hbm>>
    tpu.enqueue_dma source(%dma_start3A_49 : memref<2000xi32, #tpu.memory_space<hbm>>) target(%dma_start3A_48 : memref<2000xi32, #tpu.memory_space<vmem>>) target_semaphore(%arg26 : memref<!tpu.dma_semaphore, #tpu.memory_space<semaphore_mem>>)
    %add3A_50 = arith.constant 8000 : i32
    %add3A_51 = arith.addi %mul3A_4, %add3A_50 : i32
    %dma_start3A_52 = arith.constant 4 : i32
    %dma_start3A_53 = arith.constant 0 : i32
    %dma_start3A_54 = tpu.memref_slice %arg17[%dma_start3A_52, %dma_start3A_53] : memref<5x2000xi32, #tpu.memory_space<vmem>> -> memref<1x2000xi32, #tpu.memory_space<vmem>>
    %dma_start3A_55 = tpu.memref_squeeze %dma_start3A_54 : memref<1x2000xi32, #tpu.memory_space<vmem>> -> memref<2000xi32, #tpu.memory_space<vmem>>
    %dma_start3A_56 = tpu.memref_slice %arg3[%add3A_51] : memref<320000xi32, #tpu.memory_space<hbm>> -> memref<2000xi32, #tpu.memory_space<hbm>>
    %dma_start3A_57 = arith.constant 0 : i32
    %dma_start3A_58 = tpu.memref_slice %arg17[%dma_start3A_52, %dma_start3A_57] : memref<5x2000xi32, #tpu.memory_space<vmem>> -> memref<1x2000xi32, #tpu.memory_space<vmem>>
    %dma_start3A_59 = tpu.memref_squeeze %dma_start3A_58 : memref<1x2000xi32, #tpu.memory_space<vmem>> -> memref<2000xi32, #tpu.memory_space<vmem>>
    %dma_start3A_60 = tpu.memref_slice %arg3[%add3A_51] : memref<320000xi32, #tpu.memory_space<hbm>> -> memref<2000xi32, #tpu.memory_space<hbm>>
    tpu.enqueue_dma source(%dma_start3A_60 : memref<2000xi32, #tpu.memory_space<hbm>>) target(%dma_start3A_59 : memref<2000xi32, #tpu.memory_space<vmem>>) target_semaphore(%arg26 : memref<!tpu.dma_semaphore, #tpu.memory_space<semaphore_mem>>)
    "tpu.region"() ({
      %run_scoped3A = tpu.sem_alloc : memref<!tpu.dma_semaphore, #tpu.memory_space<semaphore_mem>>
      %dma_start3A_529 = arith.constant 0 : i32
      %dma_start3A_530 = tpu.memref_slice %arg22[%mul3A_0, %dma_start3A_529] : memref<10240x16xf32, #tpu.memory_space<vmem_shared>> -> memref<640x16xf32, #tpu.memory_space<vmem_shared>>
      %dma_start3A_531 = arith.constant 0 : i32
      %dma_start3A_532 = tpu.memref_slice %arg10[%mul3A_0, %dma_start3A_531] : memref<10240x16xf32, #tpu.memory_space<hbm>> -> memref<640x16xf32, #tpu.memory_space<hbm>>
      tpu.enqueue_dma source(%dma_start3A_532 : memref<640x16xf32, #tpu.memory_space<hbm>>) target(%dma_start3A_530 : memref<640x16xf32, #tpu.memory_space<vmem_shared>>) target_semaphore(%run_scoped3A : memref<!tpu.dma_semaphore, #tpu.memory_space<semaphore_mem>>)
      %dma_wait3A_533 = arith.constant 0 : i32
      %dma_wait3A_534 = tpu.memref_slice %arg22[%mul3A_0, %dma_wait3A_533] : memref<10240x16xf32, #tpu.memory_space<vmem_shared>> -> memref<640x16xf32, #tpu.memory_space<vmem_shared>>
      %dma_wait3A_535 = arith.constant 0 : i32
      %dma_wait3A_536 = tpu.memref_slice %arg10[%mul3A_0, %dma_wait3A_535] : memref<10240x16xf32, #tpu.memory_space<hbm>> -> memref<640x16xf32, #tpu.memory_space<hbm>>
      tpu.wait_dma2 semaphore(%run_scoped3A : memref<!tpu.dma_semaphore, #tpu.memory_space<semaphore_mem>>) src(%dma_wait3A_536 : memref<640x16xf32, #tpu.memory_space<hbm>>) dst(%dma_wait3A_534 : memref<640x16xf32, #tpu.memory_space<vmem_shared>>)
      tpu.yield
    }) : () -> ()
    "tpu.region"() ({
      %run_scoped3A = tpu.sem_alloc : memref<!tpu.dma_semaphore, #tpu.memory_space<semaphore_mem>>
      %dma_start3A_529 = arith.constant 0 : i32
      %dma_start3A_530 = tpu.memref_slice %arg23[%mul3A_0, %dma_start3A_529] : memref<10240x16xf32, #tpu.memory_space<vmem_shared>> -> memref<640x16xf32, #tpu.memory_space<vmem_shared>>
      %dma_start3A_531 = arith.constant 0 : i32
      %dma_start3A_532 = tpu.memref_slice %arg10[%mul3A_0, %dma_start3A_531] : memref<10240x16xf32, #tpu.memory_space<hbm>> -> memref<640x16xf32, #tpu.memory_space<hbm>>
      tpu.enqueue_dma source(%dma_start3A_532 : memref<640x16xf32, #tpu.memory_space<hbm>>) target(%dma_start3A_530 : memref<640x16xf32, #tpu.memory_space<vmem_shared>>) target_semaphore(%run_scoped3A : memref<!tpu.dma_semaphore, #tpu.memory_space<semaphore_mem>>)
      %dma_wait3A_533 = arith.constant 0 : i32
      %dma_wait3A_534 = tpu.memref_slice %arg23[%mul3A_0, %dma_wait3A_533] : memref<10240x16xf32, #tpu.memory_space<vmem_shared>> -> memref<640x16xf32, #tpu.memory_space<vmem_shared>>
      %dma_wait3A_535 = arith.constant 0 : i32
      %dma_wait3A_536 = tpu.memref_slice %arg10[%mul3A_0, %dma_wait3A_535] : memref<10240x16xf32, #tpu.memory_space<hbm>> -> memref<640x16xf32, #tpu.memory_space<hbm>>
      tpu.wait_dma2 semaphore(%run_scoped3A : memref<!tpu.dma_semaphore, #tpu.memory_space<semaphore_mem>>) src(%dma_wait3A_536 : memref<640x16xf32, #tpu.memory_space<hbm>>) dst(%dma_wait3A_534 : memref<640x16xf32, #tpu.memory_space<vmem_shared>>)
      tpu.yield
    }) : () -> ()
    "tpu.region"() ({
      %run_scoped3A = tpu.sem_alloc : memref<!tpu.dma_semaphore, #tpu.memory_space<semaphore_mem>>
      %dma_start3A_529 = tpu.memref_slice %arg24[%mul3A_0] : memref<10240xf32, #tpu.memory_space<vmem_shared>> -> memref<640xf32, #tpu.memory_space<vmem_shared>>
      %dma_start3A_530 = tpu.memref_slice %arg11[%mul3A_0] : memref<10240xf32, #tpu.memory_space<hbm>> -> memref<640xf32, #tpu.memory_space<hbm>>
      tpu.enqueue_dma source(%dma_start3A_530 : memref<640xf32, #tpu.memory_space<hbm>>) target(%dma_start3A_529 : memref<640xf32, #tpu.memory_space<vmem_shared>>) target_semaphore(%run_scoped3A : memref<!tpu.dma_semaphore, #tpu.memory_space<semaphore_mem>>)
      %dma_wait3A_531 = tpu.memref_slice %arg24[%mul3A_0] : memref<10240xf32, #tpu.memory_space<vmem_shared>> -> memref<640xf32, #tpu.memory_space<vmem_shared>>
      %dma_wait3A_532 = tpu.memref_slice %arg11[%mul3A_0] : memref<10240xf32, #tpu.memory_space<hbm>> -> memref<640xf32, #tpu.memory_space<hbm>>
      tpu.wait_dma2 semaphore(%run_scoped3A : memref<!tpu.dma_semaphore, #tpu.memory_space<semaphore_mem>>) src(%dma_wait3A_532 : memref<640xf32, #tpu.memory_space<hbm>>) dst(%dma_wait3A_531 : memref<640xf32, #tpu.memory_space<vmem_shared>>)
      tpu.yield
    }) : () -> ()
    "tpu.region"() ({
      %run_scoped3A = tpu.sem_alloc : memref<!tpu.dma_semaphore, #tpu.memory_space<semaphore_mem>>
      %dma_start3A_529 = tpu.memref_slice %arg25[%mul3A_0] : memref<10240xf32, #tpu.memory_space<vmem_shared>> -> memref<640xf32, #tpu.memory_space<vmem_shared>>
      %dma_start3A_530 = tpu.memref_slice %arg11[%mul3A_0] : memref<10240xf32, #tpu.memory_space<hbm>> -> memref<640xf32, #tpu.memory_space<hbm>>
      tpu.enqueue_dma source(%dma_start3A_530 : memref<640xf32, #tpu.memory_space<hbm>>) target(%dma_start3A_529 : memref<640xf32, #tpu.memory_space<vmem_shared>>) target_semaphore(%run_scoped3A : memref<!tpu.dma_semaphore, #tpu.memory_space<semaphore_mem>>)
      %dma_wait3A_531 = tpu.memref_slice %arg25[%mul3A_0] : memref<10240xf32, #tpu.memory_space<vmem_shared>> -> memref<640xf32, #tpu.memory_space<vmem_shared>>
      %dma_wait3A_532 = tpu.memref_slice %arg11[%mul3A_0] : memref<10240xf32, #tpu.memory_space<hbm>> -> memref<640xf32, #tpu.memory_space<hbm>>
      tpu.wait_dma2 semaphore(%run_scoped3A : memref<!tpu.dma_semaphore, #tpu.memory_space<semaphore_mem>>) src(%dma_wait3A_532 : memref<640xf32, #tpu.memory_space<hbm>>) dst(%dma_wait3A_531 : memref<640xf32, #tpu.memory_space<vmem_shared>>)
      tpu.yield
    }) : () -> ()
    %barrier3A = arith.constant 0 : index
    tpu.barrier barrier_id(%barrier3A)
    tpu.wait_dma2 semaphore(%arg26 : memref<!tpu.dma_semaphore, #tpu.memory_space<semaphore_mem>>) src(%arg8 : memref<10240xf32, #tpu.memory_space<hbm>>) dst(%arg20 : memref<10240xf32, #tpu.memory_space<vmem>>)
    %dma_wait3A = tpu.memref_slice %arg2[%mul3A_4] : memref<320000xi32, #tpu.memory_space<hbm>> -> memref<10000xi32, #tpu.memory_space<hbm>>
    %dma_wait3A_61 = tpu.memref_slice %arg2[%mul3A_4] : memref<320000xi32, #tpu.memory_space<hbm>> -> memref<10000xi32, #tpu.memory_space<hbm>>
    tpu.wait_dma2 semaphore(%arg26 : memref<!tpu.dma_semaphore, #tpu.memory_space<semaphore_mem>>) src(%dma_wait3A_61 : memref<10000xi32, #tpu.memory_space<hbm>>) dst(%arg16 : memref<10000xi32, #tpu.memory_space<vmem>>)
    %dma_wait3A_62 = arith.constant 0 : i32
    %dma_wait3A_63 = arith.constant 0 : i32
    %dma_wait3A_64 = tpu.memref_slice %arg17[%dma_wait3A_62, %dma_wait3A_63] : memref<5x2000xi32, #tpu.memory_space<vmem>> -> memref<1x2000xi32, #tpu.memory_space<vmem>>
    %dma_wait3A_65 = tpu.memref_squeeze %dma_wait3A_64 : memref<1x2000xi32, #tpu.memory_space<vmem>> -> memref<2000xi32, #tpu.memory_space<vmem>>
    %dma_wait3A_66 = tpu.memref_slice %arg3[%add3A_7] : memref<320000xi32, #tpu.memory_space<hbm>> -> memref<2000xi32, #tpu.memory_space<hbm>>
    %dma_wait3A_67 = arith.constant 0 : i32
    %dma_wait3A_68 = tpu.memref_slice %arg17[%dma_wait3A_62, %dma_wait3A_67] : memref<5x2000xi32, #tpu.memory_space<vmem>> -> memref<1x2000xi32, #tpu.memory_space<vmem>>
    %dma_wait3A_69 = tpu.memref_squeeze %dma_wait3A_68 : memref<1x2000xi32, #tpu.memory_space<vmem>> -> memref<2000xi32, #tpu.memory_space<vmem>>
    %dma_wait3A_70 = tpu.memref_slice %arg3[%add3A_7] : memref<320000xi32, #tpu.memory_space<hbm>> -> memref<2000xi32, #tpu.memory_space<hbm>>
    tpu.wait_dma2 semaphore(%arg26 : memref<!tpu.dma_semaphore, #tpu.memory_space<semaphore_mem>>) src(%dma_wait3A_70 : memref<2000xi32, #tpu.memory_space<hbm>>) dst(%dma_wait3A_69 : memref<2000xi32, #tpu.memory_space<vmem>>)
    %dma_wait3A_71 = arith.constant 1 : i32
    %dma_wait3A_72 = arith.constant 0 : i32
    %dma_wait3A_73 = tpu.memref_slice %arg17[%dma_wait3A_71, %dma_wait3A_72] : memref<5x2000xi32, #tpu.memory_space<vmem>> -> memref<1x2000xi32, #tpu.memory_space<vmem>>
    %dma_wait3A_74 = tpu.memref_squeeze %dma_wait3A_73 : memref<1x2000xi32, #tpu.memory_space<vmem>> -> memref<2000xi32, #tpu.memory_space<vmem>>
    %dma_wait3A_75 = tpu.memref_slice %arg3[%add3A_18] : memref<320000xi32, #tpu.memory_space<hbm>> -> memref<2000xi32, #tpu.memory_space<hbm>>
    %dma_wait3A_76 = arith.constant 0 : i32
    %dma_wait3A_77 = tpu.memref_slice %arg17[%dma_wait3A_71, %dma_wait3A_76] : memref<5x2000xi32, #tpu.memory_space<vmem>> -> memref<1x2000xi32, #tpu.memory_space<vmem>>
    %dma_wait3A_78 = tpu.memref_squeeze %dma_wait3A_77 : memref<1x2000xi32, #tpu.memory_space<vmem>> -> memref<2000xi32, #tpu.memory_space<vmem>>
    %dma_wait3A_79 = tpu.memref_slice %arg3[%add3A_18] : memref<320000xi32, #tpu.memory_space<hbm>> -> memref<2000xi32, #tpu.memory_space<hbm>>
    tpu.wait_dma2 semaphore(%arg26 : memref<!tpu.dma_semaphore, #tpu.memory_space<semaphore_mem>>) src(%dma_wait3A_79 : memref<2000xi32, #tpu.memory_space<hbm>>) dst(%dma_wait3A_78 : memref<2000xi32, #tpu.memory_space<vmem>>)
    %dma_wait3A_80 = arith.constant 2 : i32
    %dma_wait3A_81 = arith.constant 0 : i32
    %dma_wait3A_82 = tpu.memref_slice %arg17[%dma_wait3A_80, %dma_wait3A_81] : memref<5x2000xi32, #tpu.memory_space<vmem>> -> memref<1x2000xi32, #tpu.memory_space<vmem>>
    %dma_wait3A_83 = tpu.memref_squeeze %dma_wait3A_82 : memref<1x2000xi32, #tpu.memory_space<vmem>> -> memref<2000xi32, #tpu.memory_space<vmem>>
    %dma_wait3A_84 = tpu.memref_slice %arg3[%add3A_29] : memref<320000xi32, #tpu.memory_space<hbm>> -> memref<2000xi32, #tpu.memory_space<hbm>>
    %dma_wait3A_85 = arith.constant 0 : i32
    %dma_wait3A_86 = tpu.memref_slice %arg17[%dma_wait3A_80, %dma_wait3A_85] : memref<5x2000xi32, #tpu.memory_space<vmem>> -> memref<1x2000xi32, #tpu.memory_space<vmem>>
    %dma_wait3A_87 = tpu.memref_squeeze %dma_wait3A_86 : memref<1x2000xi32, #tpu.memory_space<vmem>> -> memref<2000xi32, #tpu.memory_space<vmem>>
    %dma_wait3A_88 = tpu.memref_slice %arg3[%add3A_29] : memref<320000xi32, #tpu.memory_space<hbm>> -> memref<2000xi32, #tpu.memory_space<hbm>>
    tpu.wait_dma2 semaphore(%arg26 : memref<!tpu.dma_semaphore, #tpu.memory_space<semaphore_mem>>) src(%dma_wait3A_88 : memref<2000xi32, #tpu.memory_space<hbm>>) dst(%dma_wait3A_87 : memref<2000xi32, #tpu.memory_space<vmem>>)
    %dma_wait3A_89 = arith.constant 3 : i32
    %dma_wait3A_90 = arith.constant 0 : i32
    %dma_wait3A_91 = tpu.memref_slice %arg17[%dma_wait3A_89, %dma_wait3A_90] : memref<5x2000xi32, #tpu.memory_space<vmem>> -> memref<1x2000xi32, #tpu.memory_space<vmem>>
    %dma_wait3A_92 = tpu.memref_squeeze %dma_wait3A_91 : memref<1x2000xi32, #tpu.memory_space<vmem>> -> memref<2000xi32, #tpu.memory_space<vmem>>
    %dma_wait3A_93 = tpu.memref_slice %arg3[%add3A_40] : memref<320000xi32, #tpu.memory_space<hbm>> -> memref<2000xi32, #tpu.memory_space<hbm>>
    %dma_wait3A_94 = arith.constant 0 : i32
    %dma_wait3A_95 = tpu.memref_slice %arg17[%dma_wait3A_89, %dma_wait3A_94] : memref<5x2000xi32, #tpu.memory_space<vmem>> -> memref<1x2000xi32, #tpu.memory_space<vmem>>
    %dma_wait3A_96 = tpu.memref_squeeze %dma_wait3A_95 : memref<1x2000xi32, #tpu.memory_space<vmem>> -> memref<2000xi32, #tpu.memory_space<vmem>>
    %dma_wait3A_97 = tpu.memref_slice %arg3[%add3A_40] : memref<320000xi32, #tpu.memory_space<hbm>> -> memref<2000xi32, #tpu.memory_space<hbm>>
    tpu.wait_dma2 semaphore(%arg26 : memref<!tpu.dma_semaphore, #tpu.memory_space<semaphore_mem>>) src(%dma_wait3A_97 : memref<2000xi32, #tpu.memory_space<hbm>>) dst(%dma_wait3A_96 : memref<2000xi32, #tpu.memory_space<vmem>>)
    %dma_wait3A_98 = arith.constant 4 : i32
    %dma_wait3A_99 = arith.constant 0 : i32
    %dma_wait3A_100 = tpu.memref_slice %arg17[%dma_wait3A_98, %dma_wait3A_99] : memref<5x2000xi32, #tpu.memory_space<vmem>> -> memref<1x2000xi32, #tpu.memory_space<vmem>>
    %dma_wait3A_101 = tpu.memref_squeeze %dma_wait3A_100 : memref<1x2000xi32, #tpu.memory_space<vmem>> -> memref<2000xi32, #tpu.memory_space<vmem>>
    %dma_wait3A_102 = tpu.memref_slice %arg3[%add3A_51] : memref<320000xi32, #tpu.memory_space<hbm>> -> memref<2000xi32, #tpu.memory_space<hbm>>
    %dma_wait3A_103 = arith.constant 0 : i32
    %dma_wait3A_104 = tpu.memref_slice %arg17[%dma_wait3A_98, %dma_wait3A_103] : memref<5x2000xi32, #tpu.memory_space<vmem>> -> memref<1x2000xi32, #tpu.memory_space<vmem>>
    %dma_wait3A_105 = tpu.memref_squeeze %dma_wait3A_104 : memref<1x2000xi32, #tpu.memory_space<vmem>> -> memref<2000xi32, #tpu.memory_space<vmem>>
    %dma_wait3A_106 = tpu.memref_slice %arg3[%add3A_51] : memref<320000xi32, #tpu.memory_space<hbm>> -> memref<2000xi32, #tpu.memory_space<hbm>>
    tpu.wait_dma2 semaphore(%arg26 : memref<!tpu.dma_semaphore, #tpu.memory_space<semaphore_mem>>) src(%dma_wait3A_106 : memref<2000xi32, #tpu.memory_space<hbm>>) dst(%dma_wait3A_105 : memref<2000xi32, #tpu.memory_space<vmem>>)
    %scan3A = arith.constant 0 : i32
    %scan3A_107 = arith.constant 0 : i32
    %scan3A_108 = arith.constant 125 : i32
    %scan3A_109 = arith.addi %scan3A_107, %scan3A_108 : i32
    %scan3A_110 = arith.constant 1 : i32
    %scan3A_111 = scf.for %scan3A_529 = %scan3A_107 to %scan3A_109 step %scan3A_110 iter_args(%scan3A_530 = %scan3A) -> (i32)  : i32 {
      %mul3A_531 = arith.constant 16 : i32
      %mul3A_532 = arith.muli %scan3A_529, %mul3A_531 : i32
      %get3A = arith.constant 0 : i32
      %get3A_533 = arith.index_cast %get3A : i32 to index
      %get3A_534 = arith.index_cast %mul3A_532 : i32 to index
      %get3A_535 = tpu.vector_load %arg17[%get3A_533, %get3A_534] {strides = array<i32>} : memref<5x2000xi32, #tpu.memory_space<vmem>>, vector<16xi32>,
      %gather3A = tpu.vector_load_idx %arg20[%get3A_535] : memref<10240xf32, #tpu.memory_space<vmem>>[vector<16xi32>], vector<16xf32>,
      %mul3A_536 = arith.constant 16 : i32
      %mul3A_537 = arith.muli %scan3A_529, %mul3A_536 : i32
      %add3A_538 = arith.constant 0 : i32
      %add3A_539 = arith.addi %add3A_538, %mul3A_537 : i32
      %swap3A = arith.index_cast %add3A_539 : i32 to index
      %swap3A_540 = tpu.vector_load %arg21[%swap3A] {strides = array<i32>} : memref<10000xf32, #tpu.memory_space<vmem>>, vector<16xf32>,
      tpu.vector_store %arg21[%swap3A], %gather3A {strides = array<i32>} : memref<10000xf32, #tpu.memory_space<vmem>>, vector<16xf32>,
      %scan3A_541 = arith.constant 0 : i32
      scf.yield %scan3A_541 : i32
    }
    %scan3A_112 = arith.constant 125 : i32
    %scan3A_113 = arith.constant 0 : i32
    %scan3A_114 = arith.constant 0 : i32
    %scan3A_115 = arith.constant 125 : i32
    %scan3A_116 = arith.addi %scan3A_114, %scan3A_115 : i32
    %scan3A_117 = arith.constant 1 : i32
    %scan3A_118 = scf.for %scan3A_529 = %scan3A_114 to %scan3A_116 step %scan3A_117 iter_args(%scan3A_530 = %scan3A_113) -> (i32)  : i32 {
      %mul3A_531 = arith.constant 16 : i32
      %mul3A_532 = arith.muli %scan3A_529, %mul3A_531 : i32
      %get3A = arith.constant 1 : i32
      %get3A_533 = arith.index_cast %get3A : i32 to index
      %get3A_534 = arith.index_cast %mul3A_532 : i32 to index
      %get3A_535 = tpu.vector_load %arg17[%get3A_533, %get3A_534] {strides = array<i32>} : memref<5x2000xi32, #tpu.memory_space<vmem>>, vector<16xi32>,
      %gather3A = tpu.vector_load_idx %arg20[%get3A_535] : memref<10240xf32, #tpu.memory_space<vmem>>[vector<16xi32>], vector<16xf32>,
      %mul3A_536 = arith.constant 16 : i32
      %mul3A_537 = arith.muli %scan3A_529, %mul3A_536 : i32
      %add3A_538 = arith.constant 2000 : i32
      %add3A_539 = arith.addi %add3A_538, %mul3A_537 : i32
      %swap3A = arith.index_cast %add3A_539 : i32 to index
      %swap3A_540 = tpu.vector_load %arg21[%swap3A] {strides = array<i32>} : memref<10000xf32, #tpu.memory_space<vmem>>, vector<16xf32>,
      tpu.vector_store %arg21[%swap3A], %gather3A {strides = array<i32>} : memref<10000xf32, #tpu.memory_space<vmem>>, vector<16xf32>,
      %scan3A_541 = arith.constant 0 : i32
      scf.yield %scan3A_541 : i32
    }
    %scan3A_119 = arith.constant 125 : i32
    %scan3A_120 = arith.constant 0 : i32
    %scan3A_121 = arith.constant 0 : i32
    %scan3A_122 = arith.constant 125 : i32
    %scan3A_123 = arith.addi %scan3A_121, %scan3A_122 : i32
    %scan3A_124 = arith.constant 1 : i32
    %scan3A_125 = scf.for %scan3A_529 = %scan3A_121 to %scan3A_123 step %scan3A_124 iter_args(%scan3A_530 = %scan3A_120) -> (i32)  : i32 {
      %mul3A_531 = arith.constant 16 : i32
      %mul3A_532 = arith.muli %scan3A_529, %mul3A_531 : i32
      %get3A = arith.constant 2 : i32
      %get3A_533 = arith.index_cast %get3A : i32 to index
      %get3A_534 = arith.index_cast %mul3A_532 : i32 to index
      %get3A_535 = tpu.vector_load %arg17[%get3A_533, %get3A_534] {strides = array<i32>} : memref<5x2000xi32, #tpu.memory_space<vmem>>, vector<16xi32>,
      %gather3A = tpu.vector_load_idx %arg20[%get3A_535] : memref<10240xf32, #tpu.memory_space<vmem>>[vector<16xi32>], vector<16xf32>,
      %mul3A_536 = arith.constant 16 : i32
      %mul3A_537 = arith.muli %scan3A_529, %mul3A_536 : i32
      %add3A_538 = arith.constant 4000 : i32
      %add3A_539 = arith.addi %add3A_538, %mul3A_537 : i32
      %swap3A = arith.index_cast %add3A_539 : i32 to index
      %swap3A_540 = tpu.vector_load %arg21[%swap3A] {strides = array<i32>} : memref<10000xf32, #tpu.memory_space<vmem>>, vector<16xf32>,
      tpu.vector_store %arg21[%swap3A], %gather3A {strides = array<i32>} : memref<10000xf32, #tpu.memory_space<vmem>>, vector<16xf32>,
      %scan3A_541 = arith.constant 0 : i32
      scf.yield %scan3A_541 : i32
    }
    %scan3A_126 = arith.constant 125 : i32
    %scan3A_127 = arith.constant 0 : i32
    %scan3A_128 = arith.constant 0 : i32
    %scan3A_129 = arith.constant 125 : i32
    %scan3A_130 = arith.addi %scan3A_128, %scan3A_129 : i32
    %scan3A_131 = arith.constant 1 : i32
    %scan3A_132 = scf.for %scan3A_529 = %scan3A_128 to %scan3A_130 step %scan3A_131 iter_args(%scan3A_530 = %scan3A_127) -> (i32)  : i32 {
      %mul3A_531 = arith.constant 16 : i32
      %mul3A_532 = arith.muli %scan3A_529, %mul3A_531 : i32
      %get3A = arith.constant 3 : i32
      %get3A_533 = arith.index_cast %get3A : i32 to index
      %get3A_534 = arith.index_cast %mul3A_532 : i32 to index
      %get3A_535 = tpu.vector_load %arg17[%get3A_533, %get3A_534] {strides = array<i32>} : memref<5x2000xi32, #tpu.memory_space<vmem>>, vector<16xi32>,
      %gather3A = tpu.vector_load_idx %arg20[%get3A_535] : memref<10240xf32, #tpu.memory_space<vmem>>[vector<16xi32>], vector<16xf32>,
      %mul3A_536 = arith.constant 16 : i32
      %mul3A_537 = arith.muli %scan3A_529, %mul3A_536 : i32
      %add3A_538 = arith.constant 6000 : i32
      %add3A_539 = arith.addi %add3A_538, %mul3A_537 : i32
      %swap3A = arith.index_cast %add3A_539 : i32 to index
      %swap3A_540 = tpu.vector_load %arg21[%swap3A] {strides = array<i32>} : memref<10000xf32, #tpu.memory_space<vmem>>, vector<16xf32>,
      tpu.vector_store %arg21[%swap3A], %gather3A {strides = array<i32>} : memref<10000xf32, #tpu.memory_space<vmem>>, vector<16xf32>,
      %scan3A_541 = arith.constant 0 : i32
      scf.yield %scan3A_541 : i32
    }
    %scan3A_133 = arith.constant 125 : i32
    %scan3A_134 = arith.constant 0 : i32
    %scan3A_135 = arith.constant 0 : i32
    %scan3A_136 = arith.constant 125 : i32
    %scan3A_137 = arith.addi %scan3A_135, %scan3A_136 : i32
    %scan3A_138 = arith.constant 1 : i32
    %scan3A_139 = scf.for %scan3A_529 = %scan3A_135 to %scan3A_137 step %scan3A_138 iter_args(%scan3A_530 = %scan3A_134) -> (i32)  : i32 {
      %mul3A_531 = arith.constant 16 : i32
      %mul3A_532 = arith.muli %scan3A_529, %mul3A_531 : i32
      %get3A = arith.constant 4 : i32
      %get3A_533 = arith.index_cast %get3A : i32 to index
      %get3A_534 = arith.index_cast %mul3A_532 : i32 to index
      %get3A_535 = tpu.vector_load %arg17[%get3A_533, %get3A_534] {strides = array<i32>} : memref<5x2000xi32, #tpu.memory_space<vmem>>, vector<16xi32>,
      %gather3A = tpu.vector_load_idx %arg20[%get3A_535] : memref<10240xf32, #tpu.memory_space<vmem>>[vector<16xi32>], vector<16xf32>,
      %mul3A_536 = arith.constant 16 : i32
      %mul3A_537 = arith.muli %scan3A_529, %mul3A_536 : i32
      %add3A_538 = arith.constant 8000 : i32
      %add3A_539 = arith.addi %add3A_538, %mul3A_537 : i32
      %swap3A = arith.index_cast %add3A_539 : i32 to index
      %swap3A_540 = tpu.vector_load %arg21[%swap3A] {strides = array<i32>} : memref<10000xf32, #tpu.memory_space<vmem>>, vector<16xf32>,
      tpu.vector_store %arg21[%swap3A], %gather3A {strides = array<i32>} : memref<10000xf32, #tpu.memory_space<vmem>>, vector<16xf32>,
      %scan3A_541 = arith.constant 0 : i32
      scf.yield %scan3A_541 : i32
    }
    %scan3A_140 = arith.constant 125 : i32
    %dma_start3A_141 = arith.constant 0 : i32
    %dma_start3A_142 = tpu.memref_slice %arg24[%dma_start3A_141] : memref<10240xf32, #tpu.memory_space<vmem_shared>> -> memref<10240xf32, #tpu.memory_space<vmem_shared>>
    tpu.enqueue_indirect_dma source(%arg21 : memref<10000xf32, #tpu.memory_space<vmem>>) target(%dma_start3A_142 : memref<10240xf32, #tpu.memory_space<vmem_shared>>) offsets(%arg16 : memref<10000xi32, #tpu.memory_space<vmem>>) semaphore(%arg31 : memref<!tpu.dma_semaphore, #tpu.memory_space<semaphore_mem>>) {add = true}
    %dma_start3A_143 = arith.constant 0 : i32
    %dma_start3A_144 = tpu.memref_slice %arg16[%dma_start3A_143] : memref<10000xi32, #tpu.memory_space<vmem>> -> memref<2000xi32, #tpu.memory_space<vmem>>
    %dma_start3A_145 = arith.constant 0 : i32
    %dma_start3A_146 = arith.constant 0 : i32
    %dma_start3A_147 = tpu.memref_slice %arg6[%dma_start3A_145, %dma_start3A_146] : memref<10240x16xf32, #tpu.memory_space<hbm>> -> memref<10240x16xf32, #tpu.memory_space<hbm>>
    tpu.enqueue_indirect_dma source(%dma_start3A_147 : memref<10240x16xf32, #tpu.memory_space<hbm>>) target(%arg18 : memref<2000x16xf32, #tpu.memory_space<vmem>>) offsets(%dma_start3A_144 : memref<2000xi32, #tpu.memory_space<vmem>>) semaphore(%arg27 : memref<!tpu.dma_semaphore, #tpu.memory_space<semaphore_mem>>)
    %dma_wait3A_148 = arith.constant 0 : i32
    %dma_wait3A_149 = tpu.memref_slice %arg16[%dma_wait3A_148] : memref<10000xi32, #tpu.memory_space<vmem>> -> memref<2000xi32, #tpu.memory_space<vmem>>
    %dma_wait3A_150 = arith.constant 0 : i32
    %dma_wait3A_151 = arith.constant 0 : i32
    %dma_wait3A_152 = tpu.memref_slice %arg6[%dma_wait3A_150, %dma_wait3A_151] : memref<10240x16xf32, #tpu.memory_space<hbm>> -> memref<10240x16xf32, #tpu.memory_space<hbm>>
    tpu.wait_indirect_dma semaphore(%arg27 : memref<!tpu.dma_semaphore, #tpu.memory_space<semaphore_mem>>) src(%dma_wait3A_152 : memref<10240x16xf32, #tpu.memory_space<hbm>>) dst(%arg18 : memref<2000x16xf32, #tpu.memory_space<vmem>>)
    %dma_start3A_153 = arith.constant 2000 : i32
    %dma_start3A_154 = tpu.memref_slice %arg16[%dma_start3A_153] : memref<10000xi32, #tpu.memory_space<vmem>> -> memref<2000xi32, #tpu.memory_space<vmem>>
    %dma_start3A_155 = arith.constant 0 : i32
    %dma_start3A_156 = arith.constant 0 : i32
    %dma_start3A_157 = tpu.memref_slice %arg6[%dma_start3A_155, %dma_start3A_156] : memref<10240x16xf32, #tpu.memory_space<hbm>> -> memref<10240x16xf32, #tpu.memory_space<hbm>>
    tpu.enqueue_indirect_dma source(%dma_start3A_157 : memref<10240x16xf32, #tpu.memory_space<hbm>>) target(%arg19 : memref<2000x16xf32, #tpu.memory_space<vmem>>) offsets(%dma_start3A_154 : memref<2000xi32, #tpu.memory_space<vmem>>) semaphore(%arg28 : memref<!tpu.dma_semaphore, #tpu.memory_space<semaphore_mem>>)
    %dma_start3A_158 = arith.constant 0 : i32
    %dma_start3A_159 = arith.constant 0 : i32
    %dma_start3A_160 = tpu.memref_slice %arg17[%dma_start3A_158, %dma_start3A_159] : memref<5x2000xi32, #tpu.memory_space<vmem>> -> memref<1x2000xi32, #tpu.memory_space<vmem>>
    %dma_start3A_161 = tpu.memref_squeeze %dma_start3A_160 : memref<1x2000xi32, #tpu.memory_space<vmem>> -> memref<2000xi32, #tpu.memory_space<vmem>>
    %dma_start3A_162 = arith.constant 0 : i32
    %dma_start3A_163 = arith.constant 0 : i32
    %dma_start3A_164 = tpu.memref_slice %arg22[%dma_start3A_162, %dma_start3A_163] : memref<10240x16xf32, #tpu.memory_space<vmem_shared>> -> memref<10240x16xf32, #tpu.memory_space<vmem_shared>>
    tpu.enqueue_indirect_dma source(%arg18 : memref<2000x16xf32, #tpu.memory_space<vmem>>) target(%dma_start3A_164 : memref<10240x16xf32, #tpu.memory_space<vmem_shared>>) offsets(%dma_start3A_161 : memref<2000xi32, #tpu.memory_space<vmem>>) semaphore(%arg29 : memref<!tpu.dma_semaphore, #tpu.memory_space<semaphore_mem>>) {add = true}
    %dma_wait3A_165 = arith.constant 2000 : i32
    %dma_wait3A_166 = tpu.memref_slice %arg16[%dma_wait3A_165] : memref<10000xi32, #tpu.memory_space<vmem>> -> memref<2000xi32, #tpu.memory_space<vmem>>
    %dma_wait3A_167 = arith.constant 0 : i32
    %dma_wait3A_168 = arith.constant 0 : i32
    %dma_wait3A_169 = tpu.memref_slice %arg6[%dma_wait3A_167, %dma_wait3A_168] : memref<10240x16xf32, #tpu.memory_space<hbm>> -> memref<10240x16xf32, #tpu.memory_space<hbm>>
    tpu.wait_indirect_dma semaphore(%arg28 : memref<!tpu.dma_semaphore, #tpu.memory_space<semaphore_mem>>) src(%dma_wait3A_169 : memref<10240x16xf32, #tpu.memory_space<hbm>>) dst(%arg19 : memref<2000x16xf32, #tpu.memory_space<vmem>>)
    %dma_wait3A_170 = arith.constant 0 : i32
    %dma_wait3A_171 = arith.constant 0 : i32
    %dma_wait3A_172 = tpu.memref_slice %arg17[%dma_wait3A_170, %dma_wait3A_171] : memref<5x2000xi32, #tpu.memory_space<vmem>> -> memref<1x2000xi32, #tpu.memory_space<vmem>>
    %dma_wait3A_173 = tpu.memref_squeeze %dma_wait3A_172 : memref<1x2000xi32, #tpu.memory_space<vmem>> -> memref<2000xi32, #tpu.memory_space<vmem>>
    %dma_wait3A_174 = arith.constant 0 : i32
    %dma_wait3A_175 = arith.constant 0 : i32
    %dma_wait3A_176 = tpu.memref_slice %arg22[%dma_wait3A_174, %dma_wait3A_175] : memref<10240x16xf32, #tpu.memory_space<vmem_shared>> -> memref<10240x16xf32, #tpu.memory_space<vmem_shared>>
    tpu.wait_indirect_dma semaphore(%arg29 : memref<!tpu.dma_semaphore, #tpu.memory_space<semaphore_mem>>) src(%arg18 : memref<2000x16xf32, #tpu.memory_space<vmem>>) dst(%dma_wait3A_176 : memref<10240x16xf32, #tpu.memory_space<vmem_shared>>)
    %dma_start3A_177 = arith.constant 4000 : i32
    %dma_start3A_178 = tpu.memref_slice %arg16[%dma_start3A_177] : memref<10000xi32, #tpu.memory_space<vmem>> -> memref<2000xi32, #tpu.memory_space<vmem>>
    %dma_start3A_179 = arith.constant 0 : i32
    %dma_start3A_180 = arith.constant 0 : i32
    %dma_start3A_181 = tpu.memref_slice %arg6[%dma_start3A_179, %dma_start3A_180] : memref<10240x16xf32, #tpu.memory_space<hbm>> -> memref<10240x16xf32, #tpu.memory_space<hbm>>
    tpu.enqueue_indirect_dma source(%dma_start3A_181 : memref<10240x16xf32, #tpu.memory_space<hbm>>) target(%arg18 : memref<2000x16xf32, #tpu.memory_space<vmem>>) offsets(%dma_start3A_178 : memref<2000xi32, #tpu.memory_space<vmem>>) semaphore(%arg27 : memref<!tpu.dma_semaphore, #tpu.memory_space<semaphore_mem>>)
    %dma_start3A_182 = arith.constant 1 : i32
    %dma_start3A_183 = arith.constant 0 : i32
    %dma_start3A_184 = tpu.memref_slice %arg17[%dma_start3A_182, %dma_start3A_183] : memref<5x2000xi32, #tpu.memory_space<vmem>> -> memref<1x2000xi32, #tpu.memory_space<vmem>>
    %dma_start3A_185 = tpu.memref_squeeze %dma_start3A_184 : memref<1x2000xi32, #tpu.memory_space<vmem>> -> memref<2000xi32, #tpu.memory_space<vmem>>
    %dma_start3A_186 = arith.constant 0 : i32
    %dma_start3A_187 = arith.constant 0 : i32
    %dma_start3A_188 = tpu.memref_slice %arg22[%dma_start3A_186, %dma_start3A_187] : memref<10240x16xf32, #tpu.memory_space<vmem_shared>> -> memref<10240x16xf32, #tpu.memory_space<vmem_shared>>
    tpu.enqueue_indirect_dma source(%arg19 : memref<2000x16xf32, #tpu.memory_space<vmem>>) target(%dma_start3A_188 : memref<10240x16xf32, #tpu.memory_space<vmem_shared>>) offsets(%dma_start3A_185 : memref<2000xi32, #tpu.memory_space<vmem>>) semaphore(%arg30 : memref<!tpu.dma_semaphore, #tpu.memory_space<semaphore_mem>>) {add = true}
    %dma_wait3A_189 = arith.constant 4000 : i32
    %dma_wait3A_190 = tpu.memref_slice %arg16[%dma_wait3A_189] : memref<10000xi32, #tpu.memory_space<vmem>> -> memref<2000xi32, #tpu.memory_space<vmem>>
    %dma_wait3A_191 = arith.constant 0 : i32
    %dma_wait3A_192 = arith.constant 0 : i32
    %dma_wait3A_193 = tpu.memref_slice %arg6[%dma_wait3A_191, %dma_wait3A_192] : memref<10240x16xf32, #tpu.memory_space<hbm>> -> memref<10240x16xf32, #tpu.memory_space<hbm>>
    tpu.wait_indirect_dma semaphore(%arg27 : memref<!tpu.dma_semaphore, #tpu.memory_space<semaphore_mem>>) src(%dma_wait3A_193 : memref<10240x16xf32, #tpu.memory_space<hbm>>) dst(%arg18 : memref<2000x16xf32, #tpu.memory_space<vmem>>)
    %dma_wait3A_194 = arith.constant 1 : i32
    %dma_wait3A_195 = arith.constant 0 : i32
    %dma_wait3A_196 = tpu.memref_slice %arg17[%dma_wait3A_194, %dma_wait3A_195] : memref<5x2000xi32, #tpu.memory_space<vmem>> -> memref<1x2000xi32, #tpu.memory_space<vmem>>
    %dma_wait3A_197 = tpu.memref_squeeze %dma_wait3A_196 : memref<1x2000xi32, #tpu.memory_space<vmem>> -> memref<2000xi32, #tpu.memory_space<vmem>>
    %dma_wait3A_198 = arith.constant 0 : i32
    %dma_wait3A_199 = arith.constant 0 : i32
    %dma_wait3A_200 = tpu.memref_slice %arg22[%dma_wait3A_198, %dma_wait3A_199] : memref<10240x16xf32, #tpu.memory_space<vmem_shared>> -> memref<10240x16xf32, #tpu.memory_space<vmem_shared>>
    tpu.wait_indirect_dma semaphore(%arg30 : memref<!tpu.dma_semaphore, #tpu.memory_space<semaphore_mem>>) src(%arg19 : memref<2000x16xf32, #tpu.memory_space<vmem>>) dst(%dma_wait3A_200 : memref<10240x16xf32, #tpu.memory_space<vmem_shared>>)
    %dma_start3A_201 = arith.constant 6000 : i32
    %dma_start3A_202 = tpu.memref_slice %arg16[%dma_start3A_201] : memref<10000xi32, #tpu.memory_space<vmem>> -> memref<2000xi32, #tpu.memory_space<vmem>>
    %dma_start3A_203 = arith.constant 0 : i32
    %dma_start3A_204 = arith.constant 0 : i32
    %dma_start3A_205 = tpu.memref_slice %arg6[%dma_start3A_203, %dma_start3A_204] : memref<10240x16xf32, #tpu.memory_space<hbm>> -> memref<10240x16xf32, #tpu.memory_space<hbm>>
    tpu.enqueue_indirect_dma source(%dma_start3A_205 : memref<10240x16xf32, #tpu.memory_space<hbm>>) target(%arg19 : memref<2000x16xf32, #tpu.memory_space<vmem>>) offsets(%dma_start3A_202 : memref<2000xi32, #tpu.memory_space<vmem>>) semaphore(%arg28 : memref<!tpu.dma_semaphore, #tpu.memory_space<semaphore_mem>>)
    %dma_start3A_206 = arith.constant 2 : i32
    %dma_start3A_207 = arith.constant 0 : i32
    %dma_start3A_208 = tpu.memref_slice %arg17[%dma_start3A_206, %dma_start3A_207] : memref<5x2000xi32, #tpu.memory_space<vmem>> -> memref<1x2000xi32, #tpu.memory_space<vmem>>
    %dma_start3A_209 = tpu.memref_squeeze %dma_start3A_208 : memref<1x2000xi32, #tpu.memory_space<vmem>> -> memref<2000xi32, #tpu.memory_space<vmem>>
    %dma_start3A_210 = arith.constant 0 : i32
    %dma_start3A_211 = arith.constant 0 : i32
    %dma_start3A_212 = tpu.memref_slice %arg22[%dma_start3A_210, %dma_start3A_211] : memref<10240x16xf32, #tpu.memory_space<vmem_shared>> -> memref<10240x16xf32, #tpu.memory_space<vmem_shared>>
    tpu.enqueue_indirect_dma source(%arg18 : memref<2000x16xf32, #tpu.memory_space<vmem>>) target(%dma_start3A_212 : memref<10240x16xf32, #tpu.memory_space<vmem_shared>>) offsets(%dma_start3A_209 : memref<2000xi32, #tpu.memory_space<vmem>>) semaphore(%arg29 : memref<!tpu.dma_semaphore, #tpu.memory_space<semaphore_mem>>) {add = true}
    %dma_wait3A_213 = arith.constant 6000 : i32
    %dma_wait3A_214 = tpu.memref_slice %arg16[%dma_wait3A_213] : memref<10000xi32, #tpu.memory_space<vmem>> -> memref<2000xi32, #tpu.memory_space<vmem>>
    %dma_wait3A_215 = arith.constant 0 : i32
    %dma_wait3A_216 = arith.constant 0 : i32
    %dma_wait3A_217 = tpu.memref_slice %arg6[%dma_wait3A_215, %dma_wait3A_216] : memref<10240x16xf32, #tpu.memory_space<hbm>> -> memref<10240x16xf32, #tpu.memory_space<hbm>>
    tpu.wait_indirect_dma semaphore(%arg28 : memref<!tpu.dma_semaphore, #tpu.memory_space<semaphore_mem>>) src(%dma_wait3A_217 : memref<10240x16xf32, #tpu.memory_space<hbm>>) dst(%arg19 : memref<2000x16xf32, #tpu.memory_space<vmem>>)
    %dma_wait3A_218 = arith.constant 2 : i32
    %dma_wait3A_219 = arith.constant 0 : i32
    %dma_wait3A_220 = tpu.memref_slice %arg17[%dma_wait3A_218, %dma_wait3A_219] : memref<5x2000xi32, #tpu.memory_space<vmem>> -> memref<1x2000xi32, #tpu.memory_space<vmem>>
    %dma_wait3A_221 = tpu.memref_squeeze %dma_wait3A_220 : memref<1x2000xi32, #tpu.memory_space<vmem>> -> memref<2000xi32, #tpu.memory_space<vmem>>
    %dma_wait3A_222 = arith.constant 0 : i32
    %dma_wait3A_223 = arith.constant 0 : i32
    %dma_wait3A_224 = tpu.memref_slice %arg22[%dma_wait3A_222, %dma_wait3A_223] : memref<10240x16xf32, #tpu.memory_space<vmem_shared>> -> memref<10240x16xf32, #tpu.memory_space<vmem_shared>>
    tpu.wait_indirect_dma semaphore(%arg29 : memref<!tpu.dma_semaphore, #tpu.memory_space<semaphore_mem>>) src(%arg18 : memref<2000x16xf32, #tpu.memory_space<vmem>>) dst(%dma_wait3A_224 : memref<10240x16xf32, #tpu.memory_space<vmem_shared>>)
    %dma_start3A_225 = arith.constant 8000 : i32
    %dma_start3A_226 = tpu.memref_slice %arg16[%dma_start3A_225] : memref<10000xi32, #tpu.memory_space<vmem>> -> memref<2000xi32, #tpu.memory_space<vmem>>
    %dma_start3A_227 = arith.constant 0 : i32
    %dma_start3A_228 = arith.constant 0 : i32
    %dma_start3A_229 = tpu.memref_slice %arg6[%dma_start3A_227, %dma_start3A_228] : memref<10240x16xf32, #tpu.memory_space<hbm>> -> memref<10240x16xf32, #tpu.memory_space<hbm>>
    tpu.enqueue_indirect_dma source(%dma_start3A_229 : memref<10240x16xf32, #tpu.memory_space<hbm>>) target(%arg18 : memref<2000x16xf32, #tpu.memory_space<vmem>>) offsets(%dma_start3A_226 : memref<2000xi32, #tpu.memory_space<vmem>>) semaphore(%arg27 : memref<!tpu.dma_semaphore, #tpu.memory_space<semaphore_mem>>)
    %dma_start3A_230 = arith.constant 3 : i32
    %dma_start3A_231 = arith.constant 0 : i32
    %dma_start3A_232 = tpu.memref_slice %arg17[%dma_start3A_230, %dma_start3A_231] : memref<5x2000xi32, #tpu.memory_space<vmem>> -> memref<1x2000xi32, #tpu.memory_space<vmem>>
    %dma_start3A_233 = tpu.memref_squeeze %dma_start3A_232 : memref<1x2000xi32, #tpu.memory_space<vmem>> -> memref<2000xi32, #tpu.memory_space<vmem>>
    %dma_start3A_234 = arith.constant 0 : i32
    %dma_start3A_235 = arith.constant 0 : i32
    %dma_start3A_236 = tpu.memref_slice %arg22[%dma_start3A_234, %dma_start3A_235] : memref<10240x16xf32, #tpu.memory_space<vmem_shared>> -> memref<10240x16xf32, #tpu.memory_space<vmem_shared>>
    tpu.enqueue_indirect_dma source(%arg19 : memref<2000x16xf32, #tpu.memory_space<vmem>>) target(%dma_start3A_236 : memref<10240x16xf32, #tpu.memory_space<vmem_shared>>) offsets(%dma_start3A_233 : memref<2000xi32, #tpu.memory_space<vmem>>) semaphore(%arg30 : memref<!tpu.dma_semaphore, #tpu.memory_space<semaphore_mem>>) {add = true}
    %dma_wait3A_237 = arith.constant 8000 : i32
    %dma_wait3A_238 = tpu.memref_slice %arg16[%dma_wait3A_237] : memref<10000xi32, #tpu.memory_space<vmem>> -> memref<2000xi32, #tpu.memory_space<vmem>>
    %dma_wait3A_239 = arith.constant 0 : i32
    %dma_wait3A_240 = arith.constant 0 : i32
    %dma_wait3A_241 = tpu.memref_slice %arg6[%dma_wait3A_239, %dma_wait3A_240] : memref<10240x16xf32, #tpu.memory_space<hbm>> -> memref<10240x16xf32, #tpu.memory_space<hbm>>
    tpu.wait_indirect_dma semaphore(%arg27 : memref<!tpu.dma_semaphore, #tpu.memory_space<semaphore_mem>>) src(%dma_wait3A_241 : memref<10240x16xf32, #tpu.memory_space<hbm>>) dst(%arg18 : memref<2000x16xf32, #tpu.memory_space<vmem>>)
    %dma_start3A_242 = arith.constant 4 : i32
    %dma_start3A_243 = arith.constant 0 : i32
    %dma_start3A_244 = tpu.memref_slice %arg17[%dma_start3A_242, %dma_start3A_243] : memref<5x2000xi32, #tpu.memory_space<vmem>> -> memref<1x2000xi32, #tpu.memory_space<vmem>>
    %dma_start3A_245 = tpu.memref_squeeze %dma_start3A_244 : memref<1x2000xi32, #tpu.memory_space<vmem>> -> memref<2000xi32, #tpu.memory_space<vmem>>
    %dma_start3A_246 = arith.constant 0 : i32
    %dma_start3A_247 = arith.constant 0 : i32
    %dma_start3A_248 = tpu.memref_slice %arg22[%dma_start3A_246, %dma_start3A_247] : memref<10240x16xf32, #tpu.memory_space<vmem_shared>> -> memref<10240x16xf32, #tpu.memory_space<vmem_shared>>
    tpu.enqueue_indirect_dma source(%arg18 : memref<2000x16xf32, #tpu.memory_space<vmem>>) target(%dma_start3A_248 : memref<10240x16xf32, #tpu.memory_space<vmem_shared>>) offsets(%dma_start3A_245 : memref<2000xi32, #tpu.memory_space<vmem>>) semaphore(%arg29 : memref<!tpu.dma_semaphore, #tpu.memory_space<semaphore_mem>>) {add = true}
    %dma_wait3A_249 = arith.constant 4 : i32
    %dma_wait3A_250 = arith.constant 0 : i32
    %dma_wait3A_251 = tpu.memref_slice %arg17[%dma_wait3A_249, %dma_wait3A_250] : memref<5x2000xi32, #tpu.memory_space<vmem>> -> memref<1x2000xi32, #tpu.memory_space<vmem>>
    %dma_wait3A_252 = tpu.memref_squeeze %dma_wait3A_251 : memref<1x2000xi32, #tpu.memory_space<vmem>> -> memref<2000xi32, #tpu.memory_space<vmem>>
    %dma_wait3A_253 = arith.constant 0 : i32
    %dma_wait3A_254 = arith.constant 0 : i32
    %dma_wait3A_255 = tpu.memref_slice %arg22[%dma_wait3A_253, %dma_wait3A_254] : memref<10240x16xf32, #tpu.memory_space<vmem_shared>> -> memref<10240x16xf32, #tpu.memory_space<vmem_shared>>
    tpu.wait_indirect_dma semaphore(%arg29 : memref<!tpu.dma_semaphore, #tpu.memory_space<semaphore_mem>>) src(%arg18 : memref<2000x16xf32, #tpu.memory_space<vmem>>) dst(%dma_wait3A_255 : memref<10240x16xf32, #tpu.memory_space<vmem_shared>>)
    %dma_wait3A_256 = arith.constant 3 : i32
    %dma_wait3A_257 = arith.constant 0 : i32
    %dma_wait3A_258 = tpu.memref_slice %arg17[%dma_wait3A_256, %dma_wait3A_257] : memref<5x2000xi32, #tpu.memory_space<vmem>> -> memref<1x2000xi32, #tpu.memory_space<vmem>>
    %dma_wait3A_259 = tpu.memref_squeeze %dma_wait3A_258 : memref<1x2000xi32, #tpu.memory_space<vmem>> -> memref<2000xi32, #tpu.memory_space<vmem>>
    %dma_wait3A_260 = arith.constant 0 : i32
    %dma_wait3A_261 = arith.constant 0 : i32
    %dma_wait3A_262 = tpu.memref_slice %arg22[%dma_wait3A_260, %dma_wait3A_261] : memref<10240x16xf32, #tpu.memory_space<vmem_shared>> -> memref<10240x16xf32, #tpu.memory_space<vmem_shared>>
    tpu.wait_indirect_dma semaphore(%arg30 : memref<!tpu.dma_semaphore, #tpu.memory_space<semaphore_mem>>) src(%arg19 : memref<2000x16xf32, #tpu.memory_space<vmem>>) dst(%dma_wait3A_262 : memref<10240x16xf32, #tpu.memory_space<vmem_shared>>)
    %dma_wait3A_263 = arith.constant 0 : i32
    %dma_wait3A_264 = tpu.memref_slice %arg24[%dma_wait3A_263] : memref<10240xf32, #tpu.memory_space<vmem_shared>> -> memref<10240xf32, #tpu.memory_space<vmem_shared>>
    tpu.wait_indirect_dma semaphore(%arg31 : memref<!tpu.dma_semaphore, #tpu.memory_space<semaphore_mem>>) src(%arg21 : memref<10000xf32, #tpu.memory_space<vmem>>) dst(%dma_wait3A_264 : memref<10240xf32, #tpu.memory_space<vmem_shared>>)
    tpu.enqueue_dma source(%arg9 : memref<10240xf32, #tpu.memory_space<hbm>>) target(%arg20 : memref<10240xf32, #tpu.memory_space<vmem>>) target_semaphore(%arg26 : memref<!tpu.dma_semaphore, #tpu.memory_space<semaphore_mem>>)
    %dma_start3A_265 = tpu.memref_slice %arg4[%mul3A_4] : memref<320000xi32, #tpu.memory_space<hbm>> -> memref<10000xi32, #tpu.memory_space<hbm>>
    %dma_start3A_266 = tpu.memref_slice %arg4[%mul3A_4] : memref<320000xi32, #tpu.memory_space<hbm>> -> memref<10000xi32, #tpu.memory_space<hbm>>
    tpu.enqueue_dma source(%dma_start3A_266 : memref<10000xi32, #tpu.memory_space<hbm>>) target(%arg16 : memref<10000xi32, #tpu.memory_space<vmem>>) target_semaphore(%arg26 : memref<!tpu.dma_semaphore, #tpu.memory_space<semaphore_mem>>)
    %add3A_267 = arith.constant 0 : i32
    %add3A_268 = arith.addi %mul3A_4, %add3A_267 : i32
    %dma_start3A_269 = arith.constant 0 : i32
    %dma_start3A_270 = arith.constant 0 : i32
    %dma_start3A_271 = tpu.memref_slice %arg17[%dma_start3A_269, %dma_start3A_270] : memref<5x2000xi32, #tpu.memory_space<vmem>> -> memref<1x2000xi32, #tpu.memory_space<vmem>>
    %dma_start3A_272 = tpu.memref_squeeze %dma_start3A_271 : memref<1x2000xi32, #tpu.memory_space<vmem>> -> memref<2000xi32, #tpu.memory_space<vmem>>
    %dma_start3A_273 = tpu.memref_slice %arg5[%add3A_268] : memref<320000xi32, #tpu.memory_space<hbm>> -> memref<2000xi32, #tpu.memory_space<hbm>>
    %dma_start3A_274 = arith.constant 0 : i32
    %dma_start3A_275 = tpu.memref_slice %arg17[%dma_start3A_269, %dma_start3A_274] : memref<5x2000xi32, #tpu.memory_space<vmem>> -> memref<1x2000xi32, #tpu.memory_space<vmem>>
    %dma_start3A_276 = tpu.memref_squeeze %dma_start3A_275 : memref<1x2000xi32, #tpu.memory_space<vmem>> -> memref<2000xi32, #tpu.memory_space<vmem>>
    %dma_start3A_277 = tpu.memref_slice %arg5[%add3A_268] : memref<320000xi32, #tpu.memory_space<hbm>> -> memref<2000xi32, #tpu.memory_space<hbm>>
    tpu.enqueue_dma source(%dma_start3A_277 : memref<2000xi32, #tpu.memory_space<hbm>>) target(%dma_start3A_276 : memref<2000xi32, #tpu.memory_space<vmem>>) target_semaphore(%arg26 : memref<!tpu.dma_semaphore, #tpu.memory_space<semaphore_mem>>)
    %add3A_278 = arith.constant 2000 : i32
    %add3A_279 = arith.addi %mul3A_4, %add3A_278 : i32
    %dma_start3A_280 = arith.constant 1 : i32
    %dma_start3A_281 = arith.constant 0 : i32
    %dma_start3A_282 = tpu.memref_slice %arg17[%dma_start3A_280, %dma_start3A_281] : memref<5x2000xi32, #tpu.memory_space<vmem>> -> memref<1x2000xi32, #tpu.memory_space<vmem>>
    %dma_start3A_283 = tpu.memref_squeeze %dma_start3A_282 : memref<1x2000xi32, #tpu.memory_space<vmem>> -> memref<2000xi32, #tpu.memory_space<vmem>>
    %dma_start3A_284 = tpu.memref_slice %arg5[%add3A_279] : memref<320000xi32, #tpu.memory_space<hbm>> -> memref<2000xi32, #tpu.memory_space<hbm>>
    %dma_start3A_285 = arith.constant 0 : i32
    %dma_start3A_286 = tpu.memref_slice %arg17[%dma_start3A_280, %dma_start3A_285] : memref<5x2000xi32, #tpu.memory_space<vmem>> -> memref<1x2000xi32, #tpu.memory_space<vmem>>
    %dma_start3A_287 = tpu.memref_squeeze %dma_start3A_286 : memref<1x2000xi32, #tpu.memory_space<vmem>> -> memref<2000xi32, #tpu.memory_space<vmem>>
    %dma_start3A_288 = tpu.memref_slice %arg5[%add3A_279] : memref<320000xi32, #tpu.memory_space<hbm>> -> memref<2000xi32, #tpu.memory_space<hbm>>
    tpu.enqueue_dma source(%dma_start3A_288 : memref<2000xi32, #tpu.memory_space<hbm>>) target(%dma_start3A_287 : memref<2000xi32, #tpu.memory_space<vmem>>) target_semaphore(%arg26 : memref<!tpu.dma_semaphore, #tpu.memory_space<semaphore_mem>>)
    %add3A_289 = arith.constant 4000 : i32
    %add3A_290 = arith.addi %mul3A_4, %add3A_289 : i32
    %dma_start3A_291 = arith.constant 2 : i32
    %dma_start3A_292 = arith.constant 0 : i32
    %dma_start3A_293 = tpu.memref_slice %arg17[%dma_start3A_291, %dma_start3A_292] : memref<5x2000xi32, #tpu.memory_space<vmem>> -> memref<1x2000xi32, #tpu.memory_space<vmem>>
    %dma_start3A_294 = tpu.memref_squeeze %dma_start3A_293 : memref<1x2000xi32, #tpu.memory_space<vmem>> -> memref<2000xi32, #tpu.memory_space<vmem>>
    %dma_start3A_295 = tpu.memref_slice %arg5[%add3A_290] : memref<320000xi32, #tpu.memory_space<hbm>> -> memref<2000xi32, #tpu.memory_space<hbm>>
    %dma_start3A_296 = arith.constant 0 : i32
    %dma_start3A_297 = tpu.memref_slice %arg17[%dma_start3A_291, %dma_start3A_296] : memref<5x2000xi32, #tpu.memory_space<vmem>> -> memref<1x2000xi32, #tpu.memory_space<vmem>>
    %dma_start3A_298 = tpu.memref_squeeze %dma_start3A_297 : memref<1x2000xi32, #tpu.memory_space<vmem>> -> memref<2000xi32, #tpu.memory_space<vmem>>
    %dma_start3A_299 = tpu.memref_slice %arg5[%add3A_290] : memref<320000xi32, #tpu.memory_space<hbm>> -> memref<2000xi32, #tpu.memory_space<hbm>>
    tpu.enqueue_dma source(%dma_start3A_299 : memref<2000xi32, #tpu.memory_space<hbm>>) target(%dma_start3A_298 : memref<2000xi32, #tpu.memory_space<vmem>>) target_semaphore(%arg26 : memref<!tpu.dma_semaphore, #tpu.memory_space<semaphore_mem>>)
    %add3A_300 = arith.constant 6000 : i32
    %add3A_301 = arith.addi %mul3A_4, %add3A_300 : i32
    %dma_start3A_302 = arith.constant 3 : i32
    %dma_start3A_303 = arith.constant 0 : i32
    %dma_start3A_304 = tpu.memref_slice %arg17[%dma_start3A_302, %dma_start3A_303] : memref<5x2000xi32, #tpu.memory_space<vmem>> -> memref<1x2000xi32, #tpu.memory_space<vmem>>
    %dma_start3A_305 = tpu.memref_squeeze %dma_start3A_304 : memref<1x2000xi32, #tpu.memory_space<vmem>> -> memref<2000xi32, #tpu.memory_space<vmem>>
    %dma_start3A_306 = tpu.memref_slice %arg5[%add3A_301] : memref<320000xi32, #tpu.memory_space<hbm>> -> memref<2000xi32, #tpu.memory_space<hbm>>
    %dma_start3A_307 = arith.constant 0 : i32
    %dma_start3A_308 = tpu.memref_slice %arg17[%dma_start3A_302, %dma_start3A_307] : memref<5x2000xi32, #tpu.memory_space<vmem>> -> memref<1x2000xi32, #tpu.memory_space<vmem>>
    %dma_start3A_309 = tpu.memref_squeeze %dma_start3A_308 : memref<1x2000xi32, #tpu.memory_space<vmem>> -> memref<2000xi32, #tpu.memory_space<vmem>>
    %dma_start3A_310 = tpu.memref_slice %arg5[%add3A_301] : memref<320000xi32, #tpu.memory_space<hbm>> -> memref<2000xi32, #tpu.memory_space<hbm>>
    tpu.enqueue_dma source(%dma_start3A_310 : memref<2000xi32, #tpu.memory_space<hbm>>) target(%dma_start3A_309 : memref<2000xi32, #tpu.memory_space<vmem>>) target_semaphore(%arg26 : memref<!tpu.dma_semaphore, #tpu.memory_space<semaphore_mem>>)
    %add3A_311 = arith.constant 8000 : i32
    %add3A_312 = arith.addi %mul3A_4, %add3A_311 : i32
    %dma_start3A_313 = arith.constant 4 : i32
    %dma_start3A_314 = arith.constant 0 : i32
    %dma_start3A_315 = tpu.memref_slice %arg17[%dma_start3A_313, %dma_start3A_314] : memref<5x2000xi32, #tpu.memory_space<vmem>> -> memref<1x2000xi32, #tpu.memory_space<vmem>>
    %dma_start3A_316 = tpu.memref_squeeze %dma_start3A_315 : memref<1x2000xi32, #tpu.memory_space<vmem>> -> memref<2000xi32, #tpu.memory_space<vmem>>
    %dma_start3A_317 = tpu.memref_slice %arg5[%add3A_312] : memref<320000xi32, #tpu.memory_space<hbm>> -> memref<2000xi32, #tpu.memory_space<hbm>>
    %dma_start3A_318 = arith.constant 0 : i32
    %dma_start3A_319 = tpu.memref_slice %arg17[%dma_start3A_313, %dma_start3A_318] : memref<5x2000xi32, #tpu.memory_space<vmem>> -> memref<1x2000xi32, #tpu.memory_space<vmem>>
    %dma_start3A_320 = tpu.memref_squeeze %dma_start3A_319 : memref<1x2000xi32, #tpu.memory_space<vmem>> -> memref<2000xi32, #tpu.memory_space<vmem>>
    %dma_start3A_321 = tpu.memref_slice %arg5[%add3A_312] : memref<320000xi32, #tpu.memory_space<hbm>> -> memref<2000xi32, #tpu.memory_space<hbm>>
    tpu.enqueue_dma source(%dma_start3A_321 : memref<2000xi32, #tpu.memory_space<hbm>>) target(%dma_start3A_320 : memref<2000xi32, #tpu.memory_space<vmem>>) target_semaphore(%arg26 : memref<!tpu.dma_semaphore, #tpu.memory_space<semaphore_mem>>)
    tpu.wait_dma2 semaphore(%arg26 : memref<!tpu.dma_semaphore, #tpu.memory_space<semaphore_mem>>) src(%arg9 : memref<10240xf32, #tpu.memory_space<hbm>>) dst(%arg20 : memref<10240xf32, #tpu.memory_space<vmem>>)
    %dma_wait3A_322 = tpu.memref_slice %arg4[%mul3A_4] : memref<320000xi32, #tpu.memory_space<hbm>> -> memref<10000xi32, #tpu.memory_space<hbm>>
    %dma_wait3A_323 = tpu.memref_slice %arg4[%mul3A_4] : memref<320000xi32, #tpu.memory_space<hbm>> -> memref<10000xi32, #tpu.memory_space<hbm>>
    tpu.wait_dma2 semaphore(%arg26 : memref<!tpu.dma_semaphore, #tpu.memory_space<semaphore_mem>>) src(%dma_wait3A_323 : memref<10000xi32, #tpu.memory_space<hbm>>) dst(%arg16 : memref<10000xi32, #tpu.memory_space<vmem>>)
    %dma_wait3A_324 = arith.constant 0 : i32
    %dma_wait3A_325 = arith.constant 0 : i32
    %dma_wait3A_326 = tpu.memref_slice %arg17[%dma_wait3A_324, %dma_wait3A_325] : memref<5x2000xi32, #tpu.memory_space<vmem>> -> memref<1x2000xi32, #tpu.memory_space<vmem>>
    %dma_wait3A_327 = tpu.memref_squeeze %dma_wait3A_326 : memref<1x2000xi32, #tpu.memory_space<vmem>> -> memref<2000xi32, #tpu.memory_space<vmem>>
    %dma_wait3A_328 = tpu.memref_slice %arg5[%add3A_268] : memref<320000xi32, #tpu.memory_space<hbm>> -> memref<2000xi32, #tpu.memory_space<hbm>>
    %dma_wait3A_329 = arith.constant 0 : i32
    %dma_wait3A_330 = tpu.memref_slice %arg17[%dma_wait3A_324, %dma_wait3A_329] : memref<5x2000xi32, #tpu.memory_space<vmem>> -> memref<1x2000xi32, #tpu.memory_space<vmem>>
    %dma_wait3A_331 = tpu.memref_squeeze %dma_wait3A_330 : memref<1x2000xi32, #tpu.memory_space<vmem>> -> memref<2000xi32, #tpu.memory_space<vmem>>
    %dma_wait3A_332 = tpu.memref_slice %arg5[%add3A_268] : memref<320000xi32, #tpu.memory_space<hbm>> -> memref<2000xi32, #tpu.memory_space<hbm>>
    tpu.wait_dma2 semaphore(%arg26 : memref<!tpu.dma_semaphore, #tpu.memory_space<semaphore_mem>>) src(%dma_wait3A_332 : memref<2000xi32, #tpu.memory_space<hbm>>) dst(%dma_wait3A_331 : memref<2000xi32, #tpu.memory_space<vmem>>)
    %dma_wait3A_333 = arith.constant 1 : i32
    %dma_wait3A_334 = arith.constant 0 : i32
    %dma_wait3A_335 = tpu.memref_slice %arg17[%dma_wait3A_333, %dma_wait3A_334] : memref<5x2000xi32, #tpu.memory_space<vmem>> -> memref<1x2000xi32, #tpu.memory_space<vmem>>
    %dma_wait3A_336 = tpu.memref_squeeze %dma_wait3A_335 : memref<1x2000xi32, #tpu.memory_space<vmem>> -> memref<2000xi32, #tpu.memory_space<vmem>>
    %dma_wait3A_337 = tpu.memref_slice %arg5[%add3A_279] : memref<320000xi32, #tpu.memory_space<hbm>> -> memref<2000xi32, #tpu.memory_space<hbm>>
    %dma_wait3A_338 = arith.constant 0 : i32
    %dma_wait3A_339 = tpu.memref_slice %arg17[%dma_wait3A_333, %dma_wait3A_338] : memref<5x2000xi32, #tpu.memory_space<vmem>> -> memref<1x2000xi32, #tpu.memory_space<vmem>>
    %dma_wait3A_340 = tpu.memref_squeeze %dma_wait3A_339 : memref<1x2000xi32, #tpu.memory_space<vmem>> -> memref<2000xi32, #tpu.memory_space<vmem>>
    %dma_wait3A_341 = tpu.memref_slice %arg5[%add3A_279] : memref<320000xi32, #tpu.memory_space<hbm>> -> memref<2000xi32, #tpu.memory_space<hbm>>
    tpu.wait_dma2 semaphore(%arg26 : memref<!tpu.dma_semaphore, #tpu.memory_space<semaphore_mem>>) src(%dma_wait3A_341 : memref<2000xi32, #tpu.memory_space<hbm>>) dst(%dma_wait3A_340 : memref<2000xi32, #tpu.memory_space<vmem>>)
    %dma_wait3A_342 = arith.constant 2 : i32
    %dma_wait3A_343 = arith.constant 0 : i32
    %dma_wait3A_344 = tpu.memref_slice %arg17[%dma_wait3A_342, %dma_wait3A_343] : memref<5x2000xi32, #tpu.memory_space<vmem>> -> memref<1x2000xi32, #tpu.memory_space<vmem>>
    %dma_wait3A_345 = tpu.memref_squeeze %dma_wait3A_344 : memref<1x2000xi32, #tpu.memory_space<vmem>> -> memref<2000xi32, #tpu.memory_space<vmem>>
    %dma_wait3A_346 = tpu.memref_slice %arg5[%add3A_290] : memref<320000xi32, #tpu.memory_space<hbm>> -> memref<2000xi32, #tpu.memory_space<hbm>>
    %dma_wait3A_347 = arith.constant 0 : i32
    %dma_wait3A_348 = tpu.memref_slice %arg17[%dma_wait3A_342, %dma_wait3A_347] : memref<5x2000xi32, #tpu.memory_space<vmem>> -> memref<1x2000xi32, #tpu.memory_space<vmem>>
    %dma_wait3A_349 = tpu.memref_squeeze %dma_wait3A_348 : memref<1x2000xi32, #tpu.memory_space<vmem>> -> memref<2000xi32, #tpu.memory_space<vmem>>
    %dma_wait3A_350 = tpu.memref_slice %arg5[%add3A_290] : memref<320000xi32, #tpu.memory_space<hbm>> -> memref<2000xi32, #tpu.memory_space<hbm>>
    tpu.wait_dma2 semaphore(%arg26 : memref<!tpu.dma_semaphore, #tpu.memory_space<semaphore_mem>>) src(%dma_wait3A_350 : memref<2000xi32, #tpu.memory_space<hbm>>) dst(%dma_wait3A_349 : memref<2000xi32, #tpu.memory_space<vmem>>)
    %dma_wait3A_351 = arith.constant 3 : i32
    %dma_wait3A_352 = arith.constant 0 : i32
    %dma_wait3A_353 = tpu.memref_slice %arg17[%dma_wait3A_351, %dma_wait3A_352] : memref<5x2000xi32, #tpu.memory_space<vmem>> -> memref<1x2000xi32, #tpu.memory_space<vmem>>
    %dma_wait3A_354 = tpu.memref_squeeze %dma_wait3A_353 : memref<1x2000xi32, #tpu.memory_space<vmem>> -> memref<2000xi32, #tpu.memory_space<vmem>>
    %dma_wait3A_355 = tpu.memref_slice %arg5[%add3A_301] : memref<320000xi32, #tpu.memory_space<hbm>> -> memref<2000xi32, #tpu.memory_space<hbm>>
    %dma_wait3A_356 = arith.constant 0 : i32
    %dma_wait3A_357 = tpu.memref_slice %arg17[%dma_wait3A_351, %dma_wait3A_356] : memref<5x2000xi32, #tpu.memory_space<vmem>> -> memref<1x2000xi32, #tpu.memory_space<vmem>>
    %dma_wait3A_358 = tpu.memref_squeeze %dma_wait3A_357 : memref<1x2000xi32, #tpu.memory_space<vmem>> -> memref<2000xi32, #tpu.memory_space<vmem>>
    %dma_wait3A_359 = tpu.memref_slice %arg5[%add3A_301] : memref<320000xi32, #tpu.memory_space<hbm>> -> memref<2000xi32, #tpu.memory_space<hbm>>
    tpu.wait_dma2 semaphore(%arg26 : memref<!tpu.dma_semaphore, #tpu.memory_space<semaphore_mem>>) src(%dma_wait3A_359 : memref<2000xi32, #tpu.memory_space<hbm>>) dst(%dma_wait3A_358 : memref<2000xi32, #tpu.memory_space<vmem>>)
    %dma_wait3A_360 = arith.constant 4 : i32
    %dma_wait3A_361 = arith.constant 0 : i32
    %dma_wait3A_362 = tpu.memref_slice %arg17[%dma_wait3A_360, %dma_wait3A_361] : memref<5x2000xi32, #tpu.memory_space<vmem>> -> memref<1x2000xi32, #tpu.memory_space<vmem>>
    %dma_wait3A_363 = tpu.memref_squeeze %dma_wait3A_362 : memref<1x2000xi32, #tpu.memory_space<vmem>> -> memref<2000xi32, #tpu.memory_space<vmem>>
    %dma_wait3A_364 = tpu.memref_slice %arg5[%add3A_312] : memref<320000xi32, #tpu.memory_space<hbm>> -> memref<2000xi32, #tpu.memory_space<hbm>>
    %dma_wait3A_365 = arith.constant 0 : i32
    %dma_wait3A_366 = tpu.memref_slice %arg17[%dma_wait3A_360, %dma_wait3A_365] : memref<5x2000xi32, #tpu.memory_space<vmem>> -> memref<1x2000xi32, #tpu.memory_space<vmem>>
    %dma_wait3A_367 = tpu.memref_squeeze %dma_wait3A_366 : memref<1x2000xi32, #tpu.memory_space<vmem>> -> memref<2000xi32, #tpu.memory_space<vmem>>
    %dma_wait3A_368 = tpu.memref_slice %arg5[%add3A_312] : memref<320000xi32, #tpu.memory_space<hbm>> -> memref<2000xi32, #tpu.memory_space<hbm>>
    tpu.wait_dma2 semaphore(%arg26 : memref<!tpu.dma_semaphore, #tpu.memory_space<semaphore_mem>>) src(%dma_wait3A_368 : memref<2000xi32, #tpu.memory_space<hbm>>) dst(%dma_wait3A_367 : memref<2000xi32, #tpu.memory_space<vmem>>)
    %scan3A_369 = arith.constant 0 : i32
    %scan3A_370 = arith.constant 0 : i32
    %scan3A_371 = arith.constant 125 : i32
    %scan3A_372 = arith.addi %scan3A_370, %scan3A_371 : i32
    %scan3A_373 = arith.constant 1 : i32
    %scan3A_374 = scf.for %scan3A_529 = %scan3A_370 to %scan3A_372 step %scan3A_373 iter_args(%scan3A_530 = %scan3A_369) -> (i32)  : i32 {
      %mul3A_531 = arith.constant 16 : i32
      %mul3A_532 = arith.muli %scan3A_529, %mul3A_531 : i32
      %get3A = arith.constant 0 : i32
      %get3A_533 = arith.index_cast %get3A : i32 to index
      %get3A_534 = arith.index_cast %mul3A_532 : i32 to index
      %get3A_535 = tpu.vector_load %arg17[%get3A_533, %get3A_534] {strides = array<i32>} : memref<5x2000xi32, #tpu.memory_space<vmem>>, vector<16xi32>,
      %gather3A = tpu.vector_load_idx %arg20[%get3A_535] : memref<10240xf32, #tpu.memory_space<vmem>>[vector<16xi32>], vector<16xf32>,
      %mul3A_536 = arith.constant 16 : i32
      %mul3A_537 = arith.muli %scan3A_529, %mul3A_536 : i32
      %add3A_538 = arith.constant 0 : i32
      %add3A_539 = arith.addi %add3A_538, %mul3A_537 : i32
      %swap3A = arith.index_cast %add3A_539 : i32 to index
      %swap3A_540 = tpu.vector_load %arg21[%swap3A] {strides = array<i32>} : memref<10000xf32, #tpu.memory_space<vmem>>, vector<16xf32>,
      tpu.vector_store %arg21[%swap3A], %gather3A {strides = array<i32>} : memref<10000xf32, #tpu.memory_space<vmem>>, vector<16xf32>,
      %scan3A_541 = arith.constant 0 : i32
      scf.yield %scan3A_541 : i32
    }
    %scan3A_375 = arith.constant 125 : i32
    %scan3A_376 = arith.constant 0 : i32
    %scan3A_377 = arith.constant 0 : i32
    %scan3A_378 = arith.constant 125 : i32
    %scan3A_379 = arith.addi %scan3A_377, %scan3A_378 : i32
    %scan3A_380 = arith.constant 1 : i32
    %scan3A_381 = scf.for %scan3A_529 = %scan3A_377 to %scan3A_379 step %scan3A_380 iter_args(%scan3A_530 = %scan3A_376) -> (i32)  : i32 {
      %mul3A_531 = arith.constant 16 : i32
      %mul3A_532 = arith.muli %scan3A_529, %mul3A_531 : i32
      %get3A = arith.constant 1 : i32
      %get3A_533 = arith.index_cast %get3A : i32 to index
      %get3A_534 = arith.index_cast %mul3A_532 : i32 to index
      %get3A_535 = tpu.vector_load %arg17[%get3A_533, %get3A_534] {strides = array<i32>} : memref<5x2000xi32, #tpu.memory_space<vmem>>, vector<16xi32>,
      %gather3A = tpu.vector_load_idx %arg20[%get3A_535] : memref<10240xf32, #tpu.memory_space<vmem>>[vector<16xi32>], vector<16xf32>,
      %mul3A_536 = arith.constant 16 : i32
      %mul3A_537 = arith.muli %scan3A_529, %mul3A_536 : i32
      %add3A_538 = arith.constant 2000 : i32
      %add3A_539 = arith.addi %add3A_538, %mul3A_537 : i32
      %swap3A = arith.index_cast %add3A_539 : i32 to index
      %swap3A_540 = tpu.vector_load %arg21[%swap3A] {strides = array<i32>} : memref<10000xf32, #tpu.memory_space<vmem>>, vector<16xf32>,
      tpu.vector_store %arg21[%swap3A], %gather3A {strides = array<i32>} : memref<10000xf32, #tpu.memory_space<vmem>>, vector<16xf32>,
      %scan3A_541 = arith.constant 0 : i32
      scf.yield %scan3A_541 : i32
    }
    %scan3A_382 = arith.constant 125 : i32
    %scan3A_383 = arith.constant 0 : i32
    %scan3A_384 = arith.constant 0 : i32
    %scan3A_385 = arith.constant 125 : i32
    %scan3A_386 = arith.addi %scan3A_384, %scan3A_385 : i32
    %scan3A_387 = arith.constant 1 : i32
    %scan3A_388 = scf.for %scan3A_529 = %scan3A_384 to %scan3A_386 step %scan3A_387 iter_args(%scan3A_530 = %scan3A_383) -> (i32)  : i32 {
      %mul3A_531 = arith.constant 16 : i32
      %mul3A_532 = arith.muli %scan3A_529, %mul3A_531 : i32
      %get3A = arith.constant 2 : i32
      %get3A_533 = arith.index_cast %get3A : i32 to index
      %get3A_534 = arith.index_cast %mul3A_532 : i32 to index
      %get3A_535 = tpu.vector_load %arg17[%get3A_533, %get3A_534] {strides = array<i32>} : memref<5x2000xi32, #tpu.memory_space<vmem>>, vector<16xi32>,
      %gather3A = tpu.vector_load_idx %arg20[%get3A_535] : memref<10240xf32, #tpu.memory_space<vmem>>[vector<16xi32>], vector<16xf32>,
      %mul3A_536 = arith.constant 16 : i32
      %mul3A_537 = arith.muli %scan3A_529, %mul3A_536 : i32
      %add3A_538 = arith.constant 4000 : i32
      %add3A_539 = arith.addi %add3A_538, %mul3A_537 : i32
      %swap3A = arith.index_cast %add3A_539 : i32 to index
      %swap3A_540 = tpu.vector_load %arg21[%swap3A] {strides = array<i32>} : memref<10000xf32, #tpu.memory_space<vmem>>, vector<16xf32>,
      tpu.vector_store %arg21[%swap3A], %gather3A {strides = array<i32>} : memref<10000xf32, #tpu.memory_space<vmem>>, vector<16xf32>,
      %scan3A_541 = arith.constant 0 : i32
      scf.yield %scan3A_541 : i32
    }
    %scan3A_389 = arith.constant 125 : i32
    %scan3A_390 = arith.constant 0 : i32
    %scan3A_391 = arith.constant 0 : i32
    %scan3A_392 = arith.constant 125 : i32
    %scan3A_393 = arith.addi %scan3A_391, %scan3A_392 : i32
    %scan3A_394 = arith.constant 1 : i32
    %scan3A_395 = scf.for %scan3A_529 = %scan3A_391 to %scan3A_393 step %scan3A_394 iter_args(%scan3A_530 = %scan3A_390) -> (i32)  : i32 {
      %mul3A_531 = arith.constant 16 : i32
      %mul3A_532 = arith.muli %scan3A_529, %mul3A_531 : i32
      %get3A = arith.constant 3 : i32
      %get3A_533 = arith.index_cast %get3A : i32 to index
      %get3A_534 = arith.index_cast %mul3A_532 : i32 to index
      %get3A_535 = tpu.vector_load %arg17[%get3A_533, %get3A_534] {strides = array<i32>} : memref<5x2000xi32, #tpu.memory_space<vmem>>, vector<16xi32>,
      %gather3A = tpu.vector_load_idx %arg20[%get3A_535] : memref<10240xf32, #tpu.memory_space<vmem>>[vector<16xi32>], vector<16xf32>,
      %mul3A_536 = arith.constant 16 : i32
      %mul3A_537 = arith.muli %scan3A_529, %mul3A_536 : i32
      %add3A_538 = arith.constant 6000 : i32
      %add3A_539 = arith.addi %add3A_538, %mul3A_537 : i32
      %swap3A = arith.index_cast %add3A_539 : i32 to index
      %swap3A_540 = tpu.vector_load %arg21[%swap3A] {strides = array<i32>} : memref<10000xf32, #tpu.memory_space<vmem>>, vector<16xf32>,
      tpu.vector_store %arg21[%swap3A], %gather3A {strides = array<i32>} : memref<10000xf32, #tpu.memory_space<vmem>>, vector<16xf32>,
      %scan3A_541 = arith.constant 0 : i32
      scf.yield %scan3A_541 : i32
    }
    %scan3A_396 = arith.constant 125 : i32
    %scan3A_397 = arith.constant 0 : i32
    %scan3A_398 = arith.constant 0 : i32
    %scan3A_399 = arith.constant 125 : i32
    %scan3A_400 = arith.addi %scan3A_398, %scan3A_399 : i32
    %scan3A_401 = arith.constant 1 : i32
    %scan3A_402 = scf.for %scan3A_529 = %scan3A_398 to %scan3A_400 step %scan3A_401 iter_args(%scan3A_530 = %scan3A_397) -> (i32)  : i32 {
      %mul3A_531 = arith.constant 16 : i32
      %mul3A_532 = arith.muli %scan3A_529, %mul3A_531 : i32
      %get3A = arith.constant 4 : i32
      %get3A_533 = arith.index_cast %get3A : i32 to index
      %get3A_534 = arith.index_cast %mul3A_532 : i32 to index
      %get3A_535 = tpu.vector_load %arg17[%get3A_533, %get3A_534] {strides = array<i32>} : memref<5x2000xi32, #tpu.memory_space<vmem>>, vector<16xi32>,
      %gather3A = tpu.vector_load_idx %arg20[%get3A_535] : memref<10240xf32, #tpu.memory_space<vmem>>[vector<16xi32>], vector<16xf32>,
      %mul3A_536 = arith.constant 16 : i32
      %mul3A_537 = arith.muli %scan3A_529, %mul3A_536 : i32
      %add3A_538 = arith.constant 8000 : i32
      %add3A_539 = arith.addi %add3A_538, %mul3A_537 : i32
      %swap3A = arith.index_cast %add3A_539 : i32 to index
      %swap3A_540 = tpu.vector_load %arg21[%swap3A] {strides = array<i32>} : memref<10000xf32, #tpu.memory_space<vmem>>, vector<16xf32>,
      tpu.vector_store %arg21[%swap3A], %gather3A {strides = array<i32>} : memref<10000xf32, #tpu.memory_space<vmem>>, vector<16xf32>,
      %scan3A_541 = arith.constant 0 : i32
      scf.yield %scan3A_541 : i32
    }
    %scan3A_403 = arith.constant 125 : i32
    %dma_start3A_404 = arith.constant 0 : i32
    %dma_start3A_405 = tpu.memref_slice %arg25[%dma_start3A_404] : memref<10240xf32, #tpu.memory_space<vmem_shared>> -> memref<10240xf32, #tpu.memory_space<vmem_shared>>
    tpu.enqueue_indirect_dma source(%arg21 : memref<10000xf32, #tpu.memory_space<vmem>>) target(%dma_start3A_405 : memref<10240xf32, #tpu.memory_space<vmem_shared>>) offsets(%arg16 : memref<10000xi32, #tpu.memory_space<vmem>>) semaphore(%arg31 : memref<!tpu.dma_semaphore, #tpu.memory_space<semaphore_mem>>) {add = true}
    %dma_start3A_406 = arith.constant 0 : i32
    %dma_start3A_407 = tpu.memref_slice %arg16[%dma_start3A_406] : memref<10000xi32, #tpu.memory_space<vmem>> -> memref<2000xi32, #tpu.memory_space<vmem>>
    %dma_start3A_408 = arith.constant 0 : i32
    %dma_start3A_409 = arith.constant 0 : i32
    %dma_start3A_410 = tpu.memref_slice %arg7[%dma_start3A_408, %dma_start3A_409] : memref<10240x16xf32, #tpu.memory_space<hbm>> -> memref<10240x16xf32, #tpu.memory_space<hbm>>
    tpu.enqueue_indirect_dma source(%dma_start3A_410 : memref<10240x16xf32, #tpu.memory_space<hbm>>) target(%arg18 : memref<2000x16xf32, #tpu.memory_space<vmem>>) offsets(%dma_start3A_407 : memref<2000xi32, #tpu.memory_space<vmem>>) semaphore(%arg27 : memref<!tpu.dma_semaphore, #tpu.memory_space<semaphore_mem>>)
    %dma_wait3A_411 = arith.constant 0 : i32
    %dma_wait3A_412 = tpu.memref_slice %arg16[%dma_wait3A_411] : memref<10000xi32, #tpu.memory_space<vmem>> -> memref<2000xi32, #tpu.memory_space<vmem>>
    %dma_wait3A_413 = arith.constant 0 : i32
    %dma_wait3A_414 = arith.constant 0 : i32
    %dma_wait3A_415 = tpu.memref_slice %arg7[%dma_wait3A_413, %dma_wait3A_414] : memref<10240x16xf32, #tpu.memory_space<hbm>> -> memref<10240x16xf32, #tpu.memory_space<hbm>>
    tpu.wait_indirect_dma semaphore(%arg27 : memref<!tpu.dma_semaphore, #tpu.memory_space<semaphore_mem>>) src(%dma_wait3A_415 : memref<10240x16xf32, #tpu.memory_space<hbm>>) dst(%arg18 : memref<2000x16xf32, #tpu.memory_space<vmem>>)
    %dma_start3A_416 = arith.constant 2000 : i32
    %dma_start3A_417 = tpu.memref_slice %arg16[%dma_start3A_416] : memref<10000xi32, #tpu.memory_space<vmem>> -> memref<2000xi32, #tpu.memory_space<vmem>>
    %dma_start3A_418 = arith.constant 0 : i32
    %dma_start3A_419 = arith.constant 0 : i32
    %dma_start3A_420 = tpu.memref_slice %arg7[%dma_start3A_418, %dma_start3A_419] : memref<10240x16xf32, #tpu.memory_space<hbm>> -> memref<10240x16xf32, #tpu.memory_space<hbm>>
    tpu.enqueue_indirect_dma source(%dma_start3A_420 : memref<10240x16xf32, #tpu.memory_space<hbm>>) target(%arg19 : memref<2000x16xf32, #tpu.memory_space<vmem>>) offsets(%dma_start3A_417 : memref<2000xi32, #tpu.memory_space<vmem>>) semaphore(%arg28 : memref<!tpu.dma_semaphore, #tpu.memory_space<semaphore_mem>>)
    %dma_start3A_421 = arith.constant 0 : i32
    %dma_start3A_422 = arith.constant 0 : i32
    %dma_start3A_423 = tpu.memref_slice %arg17[%dma_start3A_421, %dma_start3A_422] : memref<5x2000xi32, #tpu.memory_space<vmem>> -> memref<1x2000xi32, #tpu.memory_space<vmem>>
    %dma_start3A_424 = tpu.memref_squeeze %dma_start3A_423 : memref<1x2000xi32, #tpu.memory_space<vmem>> -> memref<2000xi32, #tpu.memory_space<vmem>>
    %dma_start3A_425 = arith.constant 0 : i32
    %dma_start3A_426 = arith.constant 0 : i32
    %dma_start3A_427 = tpu.memref_slice %arg23[%dma_start3A_425, %dma_start3A_426] : memref<10240x16xf32, #tpu.memory_space<vmem_shared>> -> memref<10240x16xf32, #tpu.memory_space<vmem_shared>>
    tpu.enqueue_indirect_dma source(%arg18 : memref<2000x16xf32, #tpu.memory_space<vmem>>) target(%dma_start3A_427 : memref<10240x16xf32, #tpu.memory_space<vmem_shared>>) offsets(%dma_start3A_424 : memref<2000xi32, #tpu.memory_space<vmem>>) semaphore(%arg29 : memref<!tpu.dma_semaphore, #tpu.memory_space<semaphore_mem>>) {add = true}
    %dma_wait3A_428 = arith.constant 2000 : i32
    %dma_wait3A_429 = tpu.memref_slice %arg16[%dma_wait3A_428] : memref<10000xi32, #tpu.memory_space<vmem>> -> memref<2000xi32, #tpu.memory_space<vmem>>
    %dma_wait3A_430 = arith.constant 0 : i32
    %dma_wait3A_431 = arith.constant 0 : i32
    %dma_wait3A_432 = tpu.memref_slice %arg7[%dma_wait3A_430, %dma_wait3A_431] : memref<10240x16xf32, #tpu.memory_space<hbm>> -> memref<10240x16xf32, #tpu.memory_space<hbm>>
    tpu.wait_indirect_dma semaphore(%arg28 : memref<!tpu.dma_semaphore, #tpu.memory_space<semaphore_mem>>) src(%dma_wait3A_432 : memref<10240x16xf32, #tpu.memory_space<hbm>>) dst(%arg19 : memref<2000x16xf32, #tpu.memory_space<vmem>>)
    %dma_wait3A_433 = arith.constant 0 : i32
    %dma_wait3A_434 = arith.constant 0 : i32
    %dma_wait3A_435 = tpu.memref_slice %arg17[%dma_wait3A_433, %dma_wait3A_434] : memref<5x2000xi32, #tpu.memory_space<vmem>> -> memref<1x2000xi32, #tpu.memory_space<vmem>>
    %dma_wait3A_436 = tpu.memref_squeeze %dma_wait3A_435 : memref<1x2000xi32, #tpu.memory_space<vmem>> -> memref<2000xi32, #tpu.memory_space<vmem>>
    %dma_wait3A_437 = arith.constant 0 : i32
    %dma_wait3A_438 = arith.constant 0 : i32
    %dma_wait3A_439 = tpu.memref_slice %arg23[%dma_wait3A_437, %dma_wait3A_438] : memref<10240x16xf32, #tpu.memory_space<vmem_shared>> -> memref<10240x16xf32, #tpu.memory_space<vmem_shared>>
    tpu.wait_indirect_dma semaphore(%arg29 : memref<!tpu.dma_semaphore, #tpu.memory_space<semaphore_mem>>) src(%arg18 : memref<2000x16xf32, #tpu.memory_space<vmem>>) dst(%dma_wait3A_439 : memref<10240x16xf32, #tpu.memory_space<vmem_shared>>)
    %dma_start3A_440 = arith.constant 4000 : i32
    %dma_start3A_441 = tpu.memref_slice %arg16[%dma_start3A_440] : memref<10000xi32, #tpu.memory_space<vmem>> -> memref<2000xi32, #tpu.memory_space<vmem>>
    %dma_start3A_442 = arith.constant 0 : i32
    %dma_start3A_443 = arith.constant 0 : i32
    %dma_start3A_444 = tpu.memref_slice %arg7[%dma_start3A_442, %dma_start3A_443] : memref<10240x16xf32, #tpu.memory_space<hbm>> -> memref<10240x16xf32, #tpu.memory_space<hbm>>
    tpu.enqueue_indirect_dma source(%dma_start3A_444 : memref<10240x16xf32, #tpu.memory_space<hbm>>) target(%arg18 : memref<2000x16xf32, #tpu.memory_space<vmem>>) offsets(%dma_start3A_441 : memref<2000xi32, #tpu.memory_space<vmem>>) semaphore(%arg27 : memref<!tpu.dma_semaphore, #tpu.memory_space<semaphore_mem>>)
    %dma_start3A_445 = arith.constant 1 : i32
    %dma_start3A_446 = arith.constant 0 : i32
    %dma_start3A_447 = tpu.memref_slice %arg17[%dma_start3A_445, %dma_start3A_446] : memref<5x2000xi32, #tpu.memory_space<vmem>> -> memref<1x2000xi32, #tpu.memory_space<vmem>>
    %dma_start3A_448 = tpu.memref_squeeze %dma_start3A_447 : memref<1x2000xi32, #tpu.memory_space<vmem>> -> memref<2000xi32, #tpu.memory_space<vmem>>
    %dma_start3A_449 = arith.constant 0 : i32
    %dma_start3A_450 = arith.constant 0 : i32
    %dma_start3A_451 = tpu.memref_slice %arg23[%dma_start3A_449, %dma_start3A_450] : memref<10240x16xf32, #tpu.memory_space<vmem_shared>> -> memref<10240x16xf32, #tpu.memory_space<vmem_shared>>
    tpu.enqueue_indirect_dma source(%arg19 : memref<2000x16xf32, #tpu.memory_space<vmem>>) target(%dma_start3A_451 : memref<10240x16xf32, #tpu.memory_space<vmem_shared>>) offsets(%dma_start3A_448 : memref<2000xi32, #tpu.memory_space<vmem>>) semaphore(%arg30 : memref<!tpu.dma_semaphore, #tpu.memory_space<semaphore_mem>>) {add = true}
    %dma_wait3A_452 = arith.constant 4000 : i32
    %dma_wait3A_453 = tpu.memref_slice %arg16[%dma_wait3A_452] : memref<10000xi32, #tpu.memory_space<vmem>> -> memref<2000xi32, #tpu.memory_space<vmem>>
    %dma_wait3A_454 = arith.constant 0 : i32
    %dma_wait3A_455 = arith.constant 0 : i32
    %dma_wait3A_456 = tpu.memref_slice %arg7[%dma_wait3A_454, %dma_wait3A_455] : memref<10240x16xf32, #tpu.memory_space<hbm>> -> memref<10240x16xf32, #tpu.memory_space<hbm>>
    tpu.wait_indirect_dma semaphore(%arg27 : memref<!tpu.dma_semaphore, #tpu.memory_space<semaphore_mem>>) src(%dma_wait3A_456 : memref<10240x16xf32, #tpu.memory_space<hbm>>) dst(%arg18 : memref<2000x16xf32, #tpu.memory_space<vmem>>)
    %dma_wait3A_457 = arith.constant 1 : i32
    %dma_wait3A_458 = arith.constant 0 : i32
    %dma_wait3A_459 = tpu.memref_slice %arg17[%dma_wait3A_457, %dma_wait3A_458] : memref<5x2000xi32, #tpu.memory_space<vmem>> -> memref<1x2000xi32, #tpu.memory_space<vmem>>
    %dma_wait3A_460 = tpu.memref_squeeze %dma_wait3A_459 : memref<1x2000xi32, #tpu.memory_space<vmem>> -> memref<2000xi32, #tpu.memory_space<vmem>>
    %dma_wait3A_461 = arith.constant 0 : i32
    %dma_wait3A_462 = arith.constant 0 : i32
    %dma_wait3A_463 = tpu.memref_slice %arg23[%dma_wait3A_461, %dma_wait3A_462] : memref<10240x16xf32, #tpu.memory_space<vmem_shared>> -> memref<10240x16xf32, #tpu.memory_space<vmem_shared>>
    tpu.wait_indirect_dma semaphore(%arg30 : memref<!tpu.dma_semaphore, #tpu.memory_space<semaphore_mem>>) src(%arg19 : memref<2000x16xf32, #tpu.memory_space<vmem>>) dst(%dma_wait3A_463 : memref<10240x16xf32, #tpu.memory_space<vmem_shared>>)
    %dma_start3A_464 = arith.constant 6000 : i32
    %dma_start3A_465 = tpu.memref_slice %arg16[%dma_start3A_464] : memref<10000xi32, #tpu.memory_space<vmem>> -> memref<2000xi32, #tpu.memory_space<vmem>>
    %dma_start3A_466 = arith.constant 0 : i32
    %dma_start3A_467 = arith.constant 0 : i32
    %dma_start3A_468 = tpu.memref_slice %arg7[%dma_start3A_466, %dma_start3A_467] : memref<10240x16xf32, #tpu.memory_space<hbm>> -> memref<10240x16xf32, #tpu.memory_space<hbm>>
    tpu.enqueue_indirect_dma source(%dma_start3A_468 : memref<10240x16xf32, #tpu.memory_space<hbm>>) target(%arg19 : memref<2000x16xf32, #tpu.memory_space<vmem>>) offsets(%dma_start3A_465 : memref<2000xi32, #tpu.memory_space<vmem>>) semaphore(%arg28 : memref<!tpu.dma_semaphore, #tpu.memory_space<semaphore_mem>>)
    %dma_start3A_469 = arith.constant 2 : i32
    %dma_start3A_470 = arith.constant 0 : i32
    %dma_start3A_471 = tpu.memref_slice %arg17[%dma_start3A_469, %dma_start3A_470] : memref<5x2000xi32, #tpu.memory_space<vmem>> -> memref<1x2000xi32, #tpu.memory_space<vmem>>
    %dma_start3A_472 = tpu.memref_squeeze %dma_start3A_471 : memref<1x2000xi32, #tpu.memory_space<vmem>> -> memref<2000xi32, #tpu.memory_space<vmem>>
    %dma_start3A_473 = arith.constant 0 : i32
    %dma_start3A_474 = arith.constant 0 : i32
    %dma_start3A_475 = tpu.memref_slice %arg23[%dma_start3A_473, %dma_start3A_474] : memref<10240x16xf32, #tpu.memory_space<vmem_shared>> -> memref<10240x16xf32, #tpu.memory_space<vmem_shared>>
    tpu.enqueue_indirect_dma source(%arg18 : memref<2000x16xf32, #tpu.memory_space<vmem>>) target(%dma_start3A_475 : memref<10240x16xf32, #tpu.memory_space<vmem_shared>>) offsets(%dma_start3A_472 : memref<2000xi32, #tpu.memory_space<vmem>>) semaphore(%arg29 : memref<!tpu.dma_semaphore, #tpu.memory_space<semaphore_mem>>) {add = true}
    %dma_wait3A_476 = arith.constant 6000 : i32
    %dma_wait3A_477 = tpu.memref_slice %arg16[%dma_wait3A_476] : memref<10000xi32, #tpu.memory_space<vmem>> -> memref<2000xi32, #tpu.memory_space<vmem>>
    %dma_wait3A_478 = arith.constant 0 : i32
    %dma_wait3A_479 = arith.constant 0 : i32
    %dma_wait3A_480 = tpu.memref_slice %arg7[%dma_wait3A_478, %dma_wait3A_479] : memref<10240x16xf32, #tpu.memory_space<hbm>> -> memref<10240x16xf32, #tpu.memory_space<hbm>>
    tpu.wait_indirect_dma semaphore(%arg28 : memref<!tpu.dma_semaphore, #tpu.memory_space<semaphore_mem>>) src(%dma_wait3A_480 : memref<10240x16xf32, #tpu.memory_space<hbm>>) dst(%arg19 : memref<2000x16xf32, #tpu.memory_space<vmem>>)
    %dma_wait3A_481 = arith.constant 2 : i32
    %dma_wait3A_482 = arith.constant 0 : i32
    %dma_wait3A_483 = tpu.memref_slice %arg17[%dma_wait3A_481, %dma_wait3A_482] : memref<5x2000xi32, #tpu.memory_space<vmem>> -> memref<1x2000xi32, #tpu.memory_space<vmem>>
    %dma_wait3A_484 = tpu.memref_squeeze %dma_wait3A_483 : memref<1x2000xi32, #tpu.memory_space<vmem>> -> memref<2000xi32, #tpu.memory_space<vmem>>
    %dma_wait3A_485 = arith.constant 0 : i32
    %dma_wait3A_486 = arith.constant 0 : i32
    %dma_wait3A_487 = tpu.memref_slice %arg23[%dma_wait3A_485, %dma_wait3A_486] : memref<10240x16xf32, #tpu.memory_space<vmem_shared>> -> memref<10240x16xf32, #tpu.memory_space<vmem_shared>>
    tpu.wait_indirect_dma semaphore(%arg29 : memref<!tpu.dma_semaphore, #tpu.memory_space<semaphore_mem>>) src(%arg18 : memref<2000x16xf32, #tpu.memory_space<vmem>>) dst(%dma_wait3A_487 : memref<10240x16xf32, #tpu.memory_space<vmem_shared>>)
    %dma_start3A_488 = arith.constant 8000 : i32
    %dma_start3A_489 = tpu.memref_slice %arg16[%dma_start3A_488] : memref<10000xi32, #tpu.memory_space<vmem>> -> memref<2000xi32, #tpu.memory_space<vmem>>
    %dma_start3A_490 = arith.constant 0 : i32
    %dma_start3A_491 = arith.constant 0 : i32
    %dma_start3A_492 = tpu.memref_slice %arg7[%dma_start3A_490, %dma_start3A_491] : memref<10240x16xf32, #tpu.memory_space<hbm>> -> memref<10240x16xf32, #tpu.memory_space<hbm>>
    tpu.enqueue_indirect_dma source(%dma_start3A_492 : memref<10240x16xf32, #tpu.memory_space<hbm>>) target(%arg18 : memref<2000x16xf32, #tpu.memory_space<vmem>>) offsets(%dma_start3A_489 : memref<2000xi32, #tpu.memory_space<vmem>>) semaphore(%arg27 : memref<!tpu.dma_semaphore, #tpu.memory_space<semaphore_mem>>)
    %dma_start3A_493 = arith.constant 3 : i32
    %dma_start3A_494 = arith.constant 0 : i32
    %dma_start3A_495 = tpu.memref_slice %arg17[%dma_start3A_493, %dma_start3A_494] : memref<5x2000xi32, #tpu.memory_space<vmem>> -> memref<1x2000xi32, #tpu.memory_space<vmem>>
    %dma_start3A_496 = tpu.memref_squeeze %dma_start3A_495 : memref<1x2000xi32, #tpu.memory_space<vmem>> -> memref<2000xi32, #tpu.memory_space<vmem>>
    %dma_start3A_497 = arith.constant 0 : i32
    %dma_start3A_498 = arith.constant 0 : i32
    %dma_start3A_499 = tpu.memref_slice %arg23[%dma_start3A_497, %dma_start3A_498] : memref<10240x16xf32, #tpu.memory_space<vmem_shared>> -> memref<10240x16xf32, #tpu.memory_space<vmem_shared>>
    tpu.enqueue_indirect_dma source(%arg19 : memref<2000x16xf32, #tpu.memory_space<vmem>>) target(%dma_start3A_499 : memref<10240x16xf32, #tpu.memory_space<vmem_shared>>) offsets(%dma_start3A_496 : memref<2000xi32, #tpu.memory_space<vmem>>) semaphore(%arg30 : memref<!tpu.dma_semaphore, #tpu.memory_space<semaphore_mem>>) {add = true}
    %dma_wait3A_500 = arith.constant 8000 : i32
    %dma_wait3A_501 = tpu.memref_slice %arg16[%dma_wait3A_500] : memref<10000xi32, #tpu.memory_space<vmem>> -> memref<2000xi32, #tpu.memory_space<vmem>>
    %dma_wait3A_502 = arith.constant 0 : i32
    %dma_wait3A_503 = arith.constant 0 : i32
    %dma_wait3A_504 = tpu.memref_slice %arg7[%dma_wait3A_502, %dma_wait3A_503] : memref<10240x16xf32, #tpu.memory_space<hbm>> -> memref<10240x16xf32, #tpu.memory_space<hbm>>
    tpu.wait_indirect_dma semaphore(%arg27 : memref<!tpu.dma_semaphore, #tpu.memory_space<semaphore_mem>>) src(%dma_wait3A_504 : memref<10240x16xf32, #tpu.memory_space<hbm>>) dst(%arg18 : memref<2000x16xf32, #tpu.memory_space<vmem>>)
    %dma_start3A_505 = arith.constant 4 : i32
    %dma_start3A_506 = arith.constant 0 : i32
    %dma_start3A_507 = tpu.memref_slice %arg17[%dma_start3A_505, %dma_start3A_506] : memref<5x2000xi32, #tpu.memory_space<vmem>> -> memref<1x2000xi32, #tpu.memory_space<vmem>>
    %dma_start3A_508 = tpu.memref_squeeze %dma_start3A_507 : memref<1x2000xi32, #tpu.memory_space<vmem>> -> memref<2000xi32, #tpu.memory_space<vmem>>
    %dma_start3A_509 = arith.constant 0 : i32
    %dma_start3A_510 = arith.constant 0 : i32
    %dma_start3A_511 = tpu.memref_slice %arg23[%dma_start3A_509, %dma_start3A_510] : memref<10240x16xf32, #tpu.memory_space<vmem_shared>> -> memref<10240x16xf32, #tpu.memory_space<vmem_shared>>
    tpu.enqueue_indirect_dma source(%arg18 : memref<2000x16xf32, #tpu.memory_space<vmem>>) target(%dma_start3A_511 : memref<10240x16xf32, #tpu.memory_space<vmem_shared>>) offsets(%dma_start3A_508 : memref<2000xi32, #tpu.memory_space<vmem>>) semaphore(%arg29 : memref<!tpu.dma_semaphore, #tpu.memory_space<semaphore_mem>>) {add = true}
    %dma_wait3A_512 = arith.constant 4 : i32
    %dma_wait3A_513 = arith.constant 0 : i32
    %dma_wait3A_514 = tpu.memref_slice %arg17[%dma_wait3A_512, %dma_wait3A_513] : memref<5x2000xi32, #tpu.memory_space<vmem>> -> memref<1x2000xi32, #tpu.memory_space<vmem>>
    %dma_wait3A_515 = tpu.memref_squeeze %dma_wait3A_514 : memref<1x2000xi32, #tpu.memory_space<vmem>> -> memref<2000xi32, #tpu.memory_space<vmem>>
    %dma_wait3A_516 = arith.constant 0 : i32
    %dma_wait3A_517 = arith.constant 0 : i32
    %dma_wait3A_518 = tpu.memref_slice %arg23[%dma_wait3A_516, %dma_wait3A_517] : memref<10240x16xf32, #tpu.memory_space<vmem_shared>> -> memref<10240x16xf32, #tpu.memory_space<vmem_shared>>
    tpu.wait_indirect_dma semaphore(%arg29 : memref<!tpu.dma_semaphore, #tpu.memory_space<semaphore_mem>>) src(%arg18 : memref<2000x16xf32, #tpu.memory_space<vmem>>) dst(%dma_wait3A_518 : memref<10240x16xf32, #tpu.memory_space<vmem_shared>>)
    %dma_wait3A_519 = arith.constant 3 : i32
    %dma_wait3A_520 = arith.constant 0 : i32
    %dma_wait3A_521 = tpu.memref_slice %arg17[%dma_wait3A_519, %dma_wait3A_520] : memref<5x2000xi32, #tpu.memory_space<vmem>> -> memref<1x2000xi32, #tpu.memory_space<vmem>>
    %dma_wait3A_522 = tpu.memref_squeeze %dma_wait3A_521 : memref<1x2000xi32, #tpu.memory_space<vmem>> -> memref<2000xi32, #tpu.memory_space<vmem>>
    %dma_wait3A_523 = arith.constant 0 : i32
    %dma_wait3A_524 = arith.constant 0 : i32
    %dma_wait3A_525 = tpu.memref_slice %arg23[%dma_wait3A_523, %dma_wait3A_524] : memref<10240x16xf32, #tpu.memory_space<vmem_shared>> -> memref<10240x16xf32, #tpu.memory_space<vmem_shared>>
    tpu.wait_indirect_dma semaphore(%arg30 : memref<!tpu.dma_semaphore, #tpu.memory_space<semaphore_mem>>) src(%arg19 : memref<2000x16xf32, #tpu.memory_space<vmem>>) dst(%dma_wait3A_525 : memref<10240x16xf32, #tpu.memory_space<vmem_shared>>)
    %dma_wait3A_526 = arith.constant 0 : i32
    %dma_wait3A_527 = tpu.memref_slice %arg25[%dma_wait3A_526] : memref<10240xf32, #tpu.memory_space<vmem_shared>> -> memref<10240xf32, #tpu.memory_space<vmem_shared>>
    tpu.wait_indirect_dma semaphore(%arg31 : memref<!tpu.dma_semaphore, #tpu.memory_space<semaphore_mem>>) src(%arg21 : memref<10000xf32, #tpu.memory_space<vmem>>) dst(%dma_wait3A_527 : memref<10240xf32, #tpu.memory_space<vmem_shared>>)
    %barrier3A_528 = arith.constant 0 : index
    tpu.barrier barrier_id(%barrier3A_528)
    "tpu.region"() ({
      %run_scoped3A = tpu.sem_alloc : memref<!tpu.dma_semaphore, #tpu.memory_space<semaphore_mem>>
      %dma_start3A_529 = arith.constant 0 : i32
      %dma_start3A_530 = arith.constant 0 : i32
      %dma_start3A_531 = tpu.memref_slice %arg12[%arg0, %dma_start3A_529, %dma_start3A_530] : memref<2x10240x16xf32, #tpu.memory_space<hbm>> -> memref<1x10240x16xf32, #tpu.memory_space<hbm>>
      %dma_start3A_532 = tpu.memref_squeeze %dma_start3A_531 : memref<1x10240x16xf32, #tpu.memory_space<hbm>> -> memref<10240x16xf32, #tpu.memory_space<hbm>>
      %dma_start3A_533 = arith.constant 0 : i32
      %dma_start3A_534 = tpu.memref_slice %dma_start3A_532[%mul3A_0, %dma_start3A_533] : memref<10240x16xf32, #tpu.memory_space<hbm>> -> memref<640x16xf32, #tpu.memory_space<hbm>>
      %dma_start3A_535 = arith.constant 0 : i32
      %dma_start3A_536 = tpu.memref_slice %arg22[%mul3A_0, %dma_start3A_535] : memref<10240x16xf32, #tpu.memory_space<vmem_shared>> -> memref<640x16xf32, #tpu.memory_space<vmem_shared>>
      tpu.enqueue_dma source(%dma_start3A_536 : memref<640x16xf32, #tpu.memory_space<vmem_shared>>) target(%dma_start3A_534 : memref<640x16xf32, #tpu.memory_space<hbm>>) target_semaphore(%run_scoped3A : memref<!tpu.dma_semaphore, #tpu.memory_space<semaphore_mem>>)
      %dma_wait3A_537 = arith.constant 0 : i32
      %dma_wait3A_538 = arith.constant 0 : i32
      %dma_wait3A_539 = tpu.memref_slice %arg12[%arg0, %dma_wait3A_537, %dma_wait3A_538] : memref<2x10240x16xf32, #tpu.memory_space<hbm>> -> memref<1x10240x16xf32, #tpu.memory_space<hbm>>
      %dma_wait3A_540 = tpu.memref_squeeze %dma_wait3A_539 : memref<1x10240x16xf32, #tpu.memory_space<hbm>> -> memref<10240x16xf32, #tpu.memory_space<hbm>>
      %dma_wait3A_541 = arith.constant 0 : i32
      %dma_wait3A_542 = tpu.memref_slice %dma_wait3A_540[%mul3A_0, %dma_wait3A_541] : memref<10240x16xf32, #tpu.memory_space<hbm>> -> memref<640x16xf32, #tpu.memory_space<hbm>>
      %dma_wait3A_543 = arith.constant 0 : i32
      %dma_wait3A_544 = tpu.memref_slice %arg22[%mul3A_0, %dma_wait3A_543] : memref<10240x16xf32, #tpu.memory_space<vmem_shared>> -> memref<640x16xf32, #tpu.memory_space<vmem_shared>>
      tpu.wait_dma2 semaphore(%run_scoped3A : memref<!tpu.dma_semaphore, #tpu.memory_space<semaphore_mem>>) src(%dma_wait3A_544 : memref<640x16xf32, #tpu.memory_space<vmem_shared>>) dst(%dma_wait3A_542 : memref<640x16xf32, #tpu.memory_space<hbm>>)
      tpu.yield
    }) : () -> ()
    "tpu.region"() ({
      %run_scoped3A = tpu.sem_alloc : memref<!tpu.dma_semaphore, #tpu.memory_space<semaphore_mem>>
      %dma_start3A_529 = arith.constant 0 : i32
      %dma_start3A_530 = arith.constant 0 : i32
      %dma_start3A_531 = tpu.memref_slice %arg13[%arg0, %dma_start3A_529, %dma_start3A_530] : memref<2x10240x16xf32, #tpu.memory_space<hbm>> -> memref<1x10240x16xf32, #tpu.memory_space<hbm>>
      %dma_start3A_532 = tpu.memref_squeeze %dma_start3A_531 : memref<1x10240x16xf32, #tpu.memory_space<hbm>> -> memref<10240x16xf32, #tpu.memory_space<hbm>>
      %dma_start3A_533 = arith.constant 0 : i32
      %dma_start3A_534 = tpu.memref_slice %dma_start3A_532[%mul3A_0, %dma_start3A_533] : memref<10240x16xf32, #tpu.memory_space<hbm>> -> memref<640x16xf32, #tpu.memory_space<hbm>>
      %dma_start3A_535 = arith.constant 0 : i32
      %dma_start3A_536 = tpu.memref_slice %arg23[%mul3A_0, %dma_start3A_535] : memref<10240x16xf32, #tpu.memory_space<vmem_shared>> -> memref<640x16xf32, #tpu.memory_space<vmem_shared>>
      tpu.enqueue_dma source(%dma_start3A_536 : memref<640x16xf32, #tpu.memory_space<vmem_shared>>) target(%dma_start3A_534 : memref<640x16xf32, #tpu.memory_space<hbm>>) target_semaphore(%run_scoped3A : memref<!tpu.dma_semaphore, #tpu.memory_space<semaphore_mem>>)
      %dma_wait3A_537 = arith.constant 0 : i32
      %dma_wait3A_538 = arith.constant 0 : i32
      %dma_wait3A_539 = tpu.memref_slice %arg13[%arg0, %dma_wait3A_537, %dma_wait3A_538] : memref<2x10240x16xf32, #tpu.memory_space<hbm>> -> memref<1x10240x16xf32, #tpu.memory_space<hbm>>
      %dma_wait3A_540 = tpu.memref_squeeze %dma_wait3A_539 : memref<1x10240x16xf32, #tpu.memory_space<hbm>> -> memref<10240x16xf32, #tpu.memory_space<hbm>>
      %dma_wait3A_541 = arith.constant 0 : i32
      %dma_wait3A_542 = tpu.memref_slice %dma_wait3A_540[%mul3A_0, %dma_wait3A_541] : memref<10240x16xf32, #tpu.memory_space<hbm>> -> memref<640x16xf32, #tpu.memory_space<hbm>>
      %dma_wait3A_543 = arith.constant 0 : i32
      %dma_wait3A_544 = tpu.memref_slice %arg23[%mul3A_0, %dma_wait3A_543] : memref<10240x16xf32, #tpu.memory_space<vmem_shared>> -> memref<640x16xf32, #tpu.memory_space<vmem_shared>>
      tpu.wait_dma2 semaphore(%run_scoped3A : memref<!tpu.dma_semaphore, #tpu.memory_space<semaphore_mem>>) src(%dma_wait3A_544 : memref<640x16xf32, #tpu.memory_space<vmem_shared>>) dst(%dma_wait3A_542 : memref<640x16xf32, #tpu.memory_space<hbm>>)
      tpu.yield
    }) : () -> ()
    "tpu.region"() ({
      %run_scoped3A = tpu.sem_alloc : memref<!tpu.dma_semaphore, #tpu.memory_space<semaphore_mem>>
      %dma_start3A_529 = arith.constant 0 : i32
      %dma_start3A_530 = tpu.memref_slice %arg14[%arg0, %dma_start3A_529] : memref<2x10240xf32, #tpu.memory_space<hbm>> -> memref<1x10240xf32, #tpu.memory_space<hbm>>
      %dma_start3A_531 = tpu.memref_squeeze %dma_start3A_530 : memref<1x10240xf32, #tpu.memory_space<hbm>> -> memref<10240xf32, #tpu.memory_space<hbm>>
      %dma_start3A_532 = tpu.memref_slice %dma_start3A_531[%mul3A_0] : memref<10240xf32, #tpu.memory_space<hbm>> -> memref<640xf32, #tpu.memory_space<hbm>>
      %dma_start3A_533 = tpu.memref_slice %arg24[%mul3A_0] : memref<10240xf32, #tpu.memory_space<vmem_shared>> -> memref<640xf32, #tpu.memory_space<vmem_shared>>
      tpu.enqueue_dma source(%dma_start3A_533 : memref<640xf32, #tpu.memory_space<vmem_shared>>) target(%dma_start3A_532 : memref<640xf32, #tpu.memory_space<hbm>>) target_semaphore(%run_scoped3A : memref<!tpu.dma_semaphore, #tpu.memory_space<semaphore_mem>>)
      %dma_wait3A_534 = arith.constant 0 : i32
      %dma_wait3A_535 = tpu.memref_slice %arg14[%arg0, %dma_wait3A_534] : memref<2x10240xf32, #tpu.memory_space<hbm>> -> memref<1x10240xf32, #tpu.memory_space<hbm>>
      %dma_wait3A_536 = tpu.memref_squeeze %dma_wait3A_535 : memref<1x10240xf32, #tpu.memory_space<hbm>> -> memref<10240xf32, #tpu.memory_space<hbm>>
      %dma_wait3A_537 = tpu.memref_slice %dma_wait3A_536[%mul3A_0] : memref<10240xf32, #tpu.memory_space<hbm>> -> memref<640xf32, #tpu.memory_space<hbm>>
      %dma_wait3A_538 = tpu.memref_slice %arg24[%mul3A_0] : memref<10240xf32, #tpu.memory_space<vmem_shared>> -> memref<640xf32, #tpu.memory_space<vmem_shared>>
      tpu.wait_dma2 semaphore(%run_scoped3A : memref<!tpu.dma_semaphore, #tpu.memory_space<semaphore_mem>>) src(%dma_wait3A_538 : memref<640xf32, #tpu.memory_space<vmem_shared>>) dst(%dma_wait3A_537 : memref<640xf32, #tpu.memory_space<hbm>>)
      tpu.yield
    }) : () -> ()
    "tpu.region"() ({
      %run_scoped3A = tpu.sem_alloc : memref<!tpu.dma_semaphore, #tpu.memory_space<semaphore_mem>>
      %dma_start3A_529 = arith.constant 0 : i32
      %dma_start3A_530 = tpu.memref_slice %arg15[%arg0, %dma_start3A_529] : memref<2x10240xf32, #tpu.memory_space<hbm>> -> memref<1x10240xf32, #tpu.memory_space<hbm>>
      %dma_start3A_531 = tpu.memref_squeeze %dma_start3A_530 : memref<1x10240xf32, #tpu.memory_space<hbm>> -> memref<10240xf32, #tpu.memory_space<hbm>>
      %dma_start3A_532 = tpu.memref_slice %dma_start3A_531[%mul3A_0] : memref<10240xf32, #tpu.memory_space<hbm>> -> memref<640xf32, #tpu.memory_space<hbm>>
      %dma_start3A_533 = tpu.memref_slice %arg25[%mul3A_0] : memref<10240xf32, #tpu.memory_space<vmem_shared>> -> memref<640xf32, #tpu.memory_space<vmem_shared>>
      tpu.enqueue_dma source(%dma_start3A_533 : memref<640xf32, #tpu.memory_space<vmem_shared>>) target(%dma_start3A_532 : memref<640xf32, #tpu.memory_space<hbm>>) target_semaphore(%run_scoped3A : memref<!tpu.dma_semaphore, #tpu.memory_space<semaphore_mem>>)
      %dma_wait3A_534 = arith.constant 0 : i32
      %dma_wait3A_535 = tpu.memref_slice %arg15[%arg0, %dma_wait3A_534] : memref<2x10240xf32, #tpu.memory_space<hbm>> -> memref<1x10240xf32, #tpu.memory_space<hbm>>
      %dma_wait3A_536 = tpu.memref_squeeze %dma_wait3A_535 : memref<1x10240xf32, #tpu.memory_space<hbm>> -> memref<10240xf32, #tpu.memory_space<hbm>>
      %dma_wait3A_537 = tpu.memref_slice %dma_wait3A_536[%mul3A_0] : memref<10240xf32, #tpu.memory_space<hbm>> -> memref<640xf32, #tpu.memory_space<hbm>>
      %dma_wait3A_538 = tpu.memref_slice %arg25[%mul3A_0] : memref<10240xf32, #tpu.memory_space<vmem_shared>> -> memref<640xf32, #tpu.memory_space<vmem_shared>>
      tpu.wait_dma2 semaphore(%run_scoped3A : memref<!tpu.dma_semaphore, #tpu.memory_space<semaphore_mem>>) src(%dma_wait3A_538 : memref<640xf32, #tpu.memory_space<vmem_shared>>) dst(%dma_wait3A_537 : memref<640xf32, #tpu.memory_space<hbm>>)
      tpu.yield
    }) : () -> ()
    return
  }
}

module attributes {stable_mosaic.version = 14 : i64} {
  func.func @_tc1_body(%arg0: i32, %arg1: memref<2x2x1024x1xf32, #tpu.memory_space<vmem>>, %arg2: memref<1024x128xf32, #tpu.memory_space<vmem>>, %arg3: memref<1024x128xf32, #tpu.memory_space<vmem>>, %arg4: memref<128x16xf32, #tpu.memory_space<vmem>>, %arg5: memref<128x16xf32, #tpu.memory_space<vmem>>, %arg6: memref<1024x16xf32, #tpu.memory_space<vmem>>, %arg7: memref<1024x16xf32, #tpu.memory_space<vmem>>, %arg8: memref<2x1024x1xf32, #tpu.memory_space<vmem>>) attributes {dimension_semantics = [#tpu.dimension_semantics<arbitrary>], iteration_bounds = array<i64: 10>, scalar_prefetch = 0 : i64, scratch_operands = 0 : i64, tpu.core_type = #tpu.core_type<tc>, window_params = [{transform_indices = @transform_0, window_bounds = array<i64: 2, 2, 1024, 1>}, {transform_indices = @transform_1, window_bounds = array<i64: 1024, 128>}, {transform_indices = @transform_2, window_bounds = array<i64: 1024, 128>}, {pipeline_mode = #tpu.pipeline_mode<synchronous>, transform_indices = @transform_3, window_bounds = array<i64: 128, 16>}, {pipeline_mode = #tpu.pipeline_mode<synchronous>, transform_indices = @transform_4, window_bounds = array<i64: 128, 16>}, {transform_indices = @transform_5, window_bounds = array<i64: 1024, 16>}, {transform_indices = @transform_6, window_bounds = array<i64: 1024, 16>}, {transform_indices = @transform_7, window_bounds = array<i64: 2, 1024, 1>}]} {
    %get3A = arith.constant 0 : index
    %get3A_0 = arith.constant 0 : index
    %get3A_1 = arith.constant 0 : index
    %get3A_2 = arith.constant 0 : index
    %get3A_3 = vector.load %arg1[%get3A, %get3A_0, %get3A_1, %get3A_2] : memref<2x2x1024x1xf32, #tpu.memory_space<vmem>>, vector<2x2x1024x1xf32>
    %slice3A = vector.extract_strided_slice %get3A_3 {offsets = [0, 0, 0, 0], sizes = [2, 1, 1024, 1], strides = [1, 1, 1, 1]} : vector<2x2x1024x1xf32> to vector<2x1x1024x1xf32>
    %squeeze3A = vector.shape_cast %slice3A : vector<2x1x1024x1xf32> to vector<2x1024x1xf32>
    %slice3A_4 = vector.extract_strided_slice %get3A_3 {offsets = [0, 1, 0, 0], sizes = [2, 1, 1024, 1], strides = [1, 1, 1, 1]} : vector<2x2x1024x1xf32> to vector<2x1x1024x1xf32>
    %squeeze3A_5 = vector.shape_cast %slice3A_4 : vector<2x1x1024x1xf32> to vector<2x1024x1xf32>
    %add3A = arith.addf %squeeze3A, %squeeze3A_5 : vector<2x1024x1xf32>
    %add3A_6 = arith.constant 1.000000e+00 : f32
    %add3A_7 = vector.broadcast %add3A_6 : f32 to vector<2x1024x1xf32>
    %add3A_8 = arith.addf %add3A, %add3A_7 : vector<2x1024x1xf32>
    %rsqrt3A = math.rsqrt %add3A_8 : vector<2x1024x1xf32>
    %swap3A = arith.constant 0 : index
    %swap3A_9 = arith.constant 0 : index
    %swap3A_10 = arith.constant 0 : index
    %swap3A_11 = vector.load %arg8[%swap3A, %swap3A_9, %swap3A_10] : memref<2x1024x1xf32, #tpu.memory_space<vmem>>, vector<2x1024x1xf32>
    tpu.vector_store %arg8[%swap3A, %swap3A_9, %swap3A_10], %rsqrt3A {strides = array<i32>} : memref<2x1024x1xf32, #tpu.memory_space<vmem>>, vector<2x1024x1xf32>,
    %get3A_12 = arith.constant 0 : index
    %get3A_13 = arith.constant 0 : index
    %get3A_14 = vector.load %arg2[%get3A_12, %get3A_13] : memref<1024x128xf32, #tpu.memory_space<vmem>>, vector<1024x128xf32>
    %get3A_15 = arith.constant 0 : index
    %get3A_16 = arith.constant 0 : index
    %get3A_17 = vector.load %arg4[%get3A_15, %get3A_16] : memref<128x16xf32, #tpu.memory_space<vmem>>, vector<128x16xf32>
    %dot_general3A = arith.constant dense<0.000000e+00> : vector<1024x16xf32>
    %dot_general3A_18 = tpu.matmul %get3A_14, %get3A_17, %dot_general3A {dimension_numbers = #tpu.dot_dimension_numbers<[1], [0], [0], [1], [0, 0, 1, 1], [], []>, transpose_lhs_hint = false} : vector<1024x128xf32>, vector<128x16xf32>, vector<1024x16xf32> -> vector<1024x16xf32>
    %slice3A_19 = vector.extract_strided_slice %rsqrt3A {offsets = [0, 0, 0], sizes = [1, 1024, 1], strides = [1, 1, 1]} : vector<2x1024x1xf32> to vector<1x1024x1xf32>
    %squeeze3A_20 = vector.shape_cast %slice3A_19 : vector<1x1024x1xf32> to vector<1024x1xf32>
    %mul3A = vector.broadcast %squeeze3A_20 : vector<1024x1xf32> to vector<1024x16xf32>
    %mul3A_21 = arith.mulf %dot_general3A_18, %mul3A : vector<1024x16xf32>
    %swap3A_22 = arith.constant 0 : index
    %swap3A_23 = arith.constant 0 : index
    %swap3A_24 = vector.load %arg6[%swap3A_22, %swap3A_23] : memref<1024x16xf32, #tpu.memory_space<vmem>>, vector<1024x16xf32>
    tpu.vector_store %arg6[%swap3A_22, %swap3A_23], %mul3A_21 {strides = array<i32>} : memref<1024x16xf32, #tpu.memory_space<vmem>>, vector<1024x16xf32>,
    %get3A_25 = arith.constant 0 : index
    %get3A_26 = arith.constant 0 : index
    %get3A_27 = vector.load %arg3[%get3A_25, %get3A_26] : memref<1024x128xf32, #tpu.memory_space<vmem>>, vector<1024x128xf32>
    %get3A_28 = arith.constant 0 : index
    %get3A_29 = arith.constant 0 : index
    %get3A_30 = vector.load %arg5[%get3A_28, %get3A_29] : memref<128x16xf32, #tpu.memory_space<vmem>>, vector<128x16xf32>
    %dot_general3A_31 = arith.constant dense<0.000000e+00> : vector<1024x16xf32>
    %dot_general3A_32 = tpu.matmul %get3A_27, %get3A_30, %dot_general3A_31 {dimension_numbers = #tpu.dot_dimension_numbers<[1], [0], [0], [1], [0, 0, 1, 1], [], []>, transpose_lhs_hint = false} : vector<1024x128xf32>, vector<128x16xf32>, vector<1024x16xf32> -> vector<1024x16xf32>
    %slice3A_33 = vector.extract_strided_slice %rsqrt3A {offsets = [1, 0, 0], sizes = [1, 1024, 1], strides = [1, 1, 1]} : vector<2x1024x1xf32> to vector<1x1024x1xf32>
    %squeeze3A_34 = vector.shape_cast %slice3A_33 : vector<1x1024x1xf32> to vector<1024x1xf32>
    %mul3A_35 = vector.broadcast %squeeze3A_34 : vector<1024x1xf32> to vector<1024x16xf32>
    %mul3A_36 = arith.mulf %dot_general3A_32, %mul3A_35 : vector<1024x16xf32>
    %swap3A_37 = arith.constant 0 : index
    %swap3A_38 = arith.constant 0 : index
    %swap3A_39 = vector.load %arg7[%swap3A_37, %swap3A_38] : memref<1024x16xf32, #tpu.memory_space<vmem>>, vector<1024x16xf32>
    tpu.vector_store %arg7[%swap3A_37, %swap3A_38], %mul3A_36 {strides = array<i32>} : memref<1024x16xf32, #tpu.memory_space<vmem>>, vector<1024x16xf32>,
    return
  }
  func.func @transform_0(%arg0: i32) -> (i32, i32, i32, i32) {
    %c0_i32 = arith.constant 0 : i32
    %c0_i32_0 = arith.constant 0 : i32
    %c0_i32_1 = arith.constant 0 : i32
    %c0_i32_2 = arith.constant 0 : i32
    return %c0_i32, %c0_i32_0, %arg0, %c0_i32_1 : i32, i32, i32, i32
  }
  func.func @transform_1(%arg0: i32) -> (i32, i32) {
    %c0_i32 = arith.constant 0 : i32
    %c0_i32_0 = arith.constant 0 : i32
    return %arg0, %c0_i32 : i32, i32
  }
  func.func @transform_2(%arg0: i32) -> (i32, i32) {
    %c0_i32 = arith.constant 0 : i32
    %c0_i32_0 = arith.constant 0 : i32
    return %arg0, %c0_i32 : i32, i32
  }
  func.func @transform_3(%arg0: i32) -> (i32, i32) {
    %c0_i32 = arith.constant 0 : i32
    %c0_i32_0 = arith.constant 0 : i32
    %c0_i32_1 = arith.constant 0 : i32
    return %c0_i32, %c0_i32_0 : i32, i32
  }
  func.func @transform_4(%arg0: i32) -> (i32, i32) {
    %c0_i32 = arith.constant 0 : i32
    %c0_i32_0 = arith.constant 0 : i32
    %c0_i32_1 = arith.constant 0 : i32
    return %c0_i32, %c0_i32_0 : i32, i32
  }
  func.func @transform_5(%arg0: i32) -> (i32, i32) {
    %c0_i32 = arith.constant 0 : i32
    %c0_i32_0 = arith.constant 0 : i32
    return %arg0, %c0_i32 : i32, i32
  }
  func.func @transform_6(%arg0: i32) -> (i32, i32) {
    %c0_i32 = arith.constant 0 : i32
    %c0_i32_0 = arith.constant 0 : i32
    return %arg0, %c0_i32 : i32, i32
  }
  func.func @transform_7(%arg0: i32) -> (i32, i32, i32) {
    %c0_i32 = arith.constant 0 : i32
    %c0_i32_0 = arith.constant 0 : i32
    %c0_i32_1 = arith.constant 0 : i32
    return %c0_i32, %arg0, %c0_i32_0 : i32, i32, i32
  }
}

</mosaic_0001>

<sc_bundles>
// kernel: kernel.5.cloned.1.call-start
scs
__scs_entry_jumppad:
0x0: {  	(pc) =	sbr.rel $0x88, $3  }
0x1: {  	(tag) =	ssettag $0x0;
	lr =	simm.s32 $0x1  }
0x2: {  	[smem:$0x3F8E] =	sst lr;
	_ =	strace $0xD0000000  }
0x3: {  	_ = 	snop  }
0x4: {  	_ = 	snop  }
0x5: {  	_ = 	snop  }
0x6: {  	_ = 	snop  }
0x7: {  	_ = 	snop  }
__scs_overlays_trampoline_lowered:
0x8: {  	[smem:$0x3F9D] =	sst s0  }
0x9: {  	[smem:$0x3F9E] =	sst s1  }
0xa: {  	[smem:$0x3F9F] =	sst s2  }
0xb: {  	[smem:$0x3FA0] =	sst s3  }
0xc: {  	[smem:$0x3FA1] =	sst s4  }
0xd: {  	[smem:$0x3FA2] =	sst s5  }
0xe: {  	[smem:$0x3FA3] =	sst s6  }
0xf: {  	[smem:$0x3FA4] =	sst s7  }
0x10: {  	[smem:$0x3FA5] =	sst s8  }
0x11: {  	[smem:$0x3FA6] =	sst s9;
	s0 =	simm.s32 @!p0 $0x0  }
0x12: {  	s1 =	sld [smem:$0x3F8C];
	s0 =	simm.s32 @p0 $0x1  }
0x13: {  	[smem:$0x3FA7] =	sst s0;
	s0 =	simm.s32 @!p1 $0x0  }
0x14: {  	s2 =	sld [smem:$0x3F8B];
	s0 =	simm.s32 @p1 $0x1  }
0x15: {  	[smem:$0x3FA8] =	sst s0;
	s0 =	simm.s32 @!p2 $0x0  }
0x16: {  	s3 =	sld [smem:$0x3FDB];
	s0 =	simm.s32 @p2 $0x1  }
0x17: {  	s4 =	simm.s32 $0x1BF5;
	[smem:$0x3FAA] =	sst s0  }
0x18: {  	s0 =	sld [smem:$0x3F8D];
	_ =	swait.ge [sflag:s4], $0x0  }
0x19: {  	s7 =	sld [smem:$0x3F8E]  }
0x1a: {  	s8 =	sadd.s32 $0xFFFFE003, lr  }
0x1b: {  	s9 =	sadd.s32 $0xFFFFFEF7, lr;
	s5 =	simm.s32 $0xFFFFFFFF;
	p2 =	slt.u32 s8, $0xFFFFF086  }
0x1c: {  	p1 =	slt.u32 s9, $0xF7A;
	s5 =	simm.s32 @!p2 $0x0  }
0x1d: {  	s5 =	simm.s32 @p1 $0x1;
	p0 =	seq.s32 s7, s2  }
0x1e: {  	s7 =	smul.u32 @!p0 $0xF7A, s2;
	p2 =	seq.s32 @!p0 s5, $0x0  }
0x1f: {  	s9 =	smul.u32 $0xF7A, s1;
	s8 =	simm.s32 @!p0 $0x1BF5;
	p2 =	por !p2, p0  }
0x20: {  	[sflag:s8] =	ssyncset.s32 @!p0 $0xFFFFF086;
	s6 =	sadd.s32 @!p0 s3, s7;
	s7 =	simm.s32 @!p0 $0x108  }
0x21: {  	s3 =	sadd.s32 s3, s9;
	s6 =	sadd.s32 @!p0 $0x88, s6;
	s7 =	simm.s32 @p2 $0x1082  }
0x22: {  	[simem:s7], [sflag:s8] =	dma.local @!p0 [hbm:s6], $0xF7A  }
0x23: {  	s9 =	sor.u32 $0xD0000000, s2;
	s6 =	simm.s32 $0x108;
	_ =	swait.ge @!p0 [sflag:s8], $0x0  }
0x24: {  	s3 =	sadd.s32 $0x88, s3;
	s6 =	simm.s32 @!p1 $0x1082;
	[sflag:s4] =	ssyncset.s32 $0xFFFFF086  }
0x25: {  	[simem:s6], [sflag:s4] =	dma.local [hbm:s3], $0xF7A  }
0x26: {  	[smem:$0x3F8E] =	sst s1;
	(tag) =	ssettag s2;
	_ =	strace s9  }
0x27: {  	s1 =	sld [smem:$0x3F9E]  }
0x28: {  	s2 =	sld [smem:$0x3F9F]  }
0x29: {  	s4 =	sld [smem:$0x3FA1]  }
0x2a: {  	p0 =	seq.s32 s5, $0x0;
	s5 =	sld [smem:$0x3FA2]  }
0x2b: {  	s6 =	sld [smem:$0x3FA3]  }
0x2c: {  	s7 =	sld [smem:$0x3FA4]  }
0x2d: {  	s3 =	simm.s32 $0x108;
	s8 =	sld [smem:$0x3FA5]  }
0x2e: {  	s3 =	simm.s32 @!p0 $0x1082;
	s9 =	sld [smem:$0x3FA6]  }
0x2f: {  	lr =	sadd.s32 s0, s3;
	s0 =	sld [smem:$0x3F9D]  }
0x30: {  	s3 =	sld [smem:$0x3FA0]  }
0x31: {  	[smem:$0x3FA9] =	sst s10  }
0x32: {  	s10 =	sld [smem:$0x3FA7];
	_ =	sdelay $0x3  }
0x33: {  	p0 =	seq.s32 s10, $0x1;
	s10 =	sld [smem:$0x3FA9];
	_ =	sdelay $0x3  }
0x34: {  	[smem:$0x3FA9] =	sst s10  }
0x35: {  	s10 =	sld [smem:$0x3FA8];
	_ =	sdelay $0x3  }
0x36: {  	p1 =	seq.s32 s10, $0x1;
	s10 =	sld [smem:$0x3FA9];
	_ =	sdelay $0x3  }
0x37: {  	[smem:$0x3FA9] =	sst s10  }
0x38: {  	s10 =	sld [smem:$0x3FAA]  }
0x39: {  	_ = 	snop;
	(pc) =	sbr.ind lr, $3  }
0x3a: {  	_ = 	snop  }
0x3b: {  	_ = 	snop  }
0x3c: {  	p2 =	seq.s32 s10, $0x1;
	s10 =	sld [smem:$0x3FA9]  }
0x3d: {  	_ =	shalt  }
0x3e: {  	_ =	shalt  }
0x3f: {  	_ =	shalt  }
0x40: {  	_ =	shalt  }
0x41: {  	_ =	shalt  }
0x42: {  	_ =	shalt  }
0x43: {  	_ =	shalt  }
0x44: {  	_ =	shalt  }
0x45: {  	_ =	shalt  }
0x46: {  	_ =	shalt  }
0x47: {  	_ =	shalt  }
0x48: {  	_ =	shalt  }
0x49: {  	_ =	shalt  }
0x4a: {  	_ =	shalt  }
0x4b: {  	_ =	shalt  }
0x4c: {  	_ =	shalt  }
0x4d: {  	_ =	shalt  }
0x4e: {  	_ =	shalt  }
0x4f: {  	_ =	shalt  }
0x50: {  	_ =	shalt  }
0x51: {  	_ =	shalt  }
0x52: {  	_ =	shalt  }
0x53: {  	_ =	shalt  }
0x54: {  	_ =	shalt  }
0x55: {  	_ =	shalt  }
0x56: {  	_ =	shalt  }
0x57: {  	_ =	shalt  }
0x58: {  	_ =	shalt  }
0x59: {  	_ =	shalt  }
0x5a: {  	_ =	shalt  }
0x5b: {  	_ =	shalt  }
0x5c: {  	_ =	shalt  }
0x5d: {  	_ =	shalt  }
0x5e: {  	_ =	shalt  }
0x5f: {  	_ =	shalt  }
0x60: {  	_ =	shalt  }
0x61: {  	_ =	shalt  }
0x62: {  	_ =	shalt  }
0x63: {  	_ =	shalt  }
0x64: {  	_ =	shalt  }
0x65: {  	_ =	shalt  }
0x66: {  	_ =	shalt  }
0x67: {  	_ =	shalt  }
0x68: {  	_ =	shalt  }
0x69: {  	_ =	shalt  }
0x6a: {  	_ =	shalt  }
0x6b: {  	_ =	shalt  }
0x6c: {  	_ =	shalt  }
0x6d: {  	_ =	shalt  }
0x6e: {  	_ =	shalt  }
0x6f: {  	_ =	shalt  }
0x70: {  	_ =	shalt  }
0x71: {  	_ =	shalt  }
0x72: {  	_ =	shalt  }
0x73: {  	_ =	shalt  }
0x74: {  	_ =	shalt  }
0x75: {  	_ =	shalt  }
0x76: {  	_ =	shalt  }
0x77: {  	_ =	shalt  }
0x78: {  	_ =	shalt  }
0x79: {  	_ =	shalt  }
0x7a: {  	_ =	shalt  }
0x7b: {  	_ =	shalt  }
0x7c: {  	_ =	shalt  }
0x7d: {  	_ =	shalt  }
0x7e: {  	_ =	shalt  }
0x7f: {  	_ =	shalt  }
0x80: {  	_ =	shalt  }
0x81: {  	_ =	shalt  }
0x82: {  	_ =	shalt  }
0x83: {  	_ =	shalt  }
0x84: {  	_ =	shalt  }
0x85: {  	_ =	shalt  }
0x86: {  	_ =	shalt  }
0x87: {  	_ =	shalt  }
.Lfunc_end0:
.L_simem_size_0:
called_computation_lowered:
.L_overlay_start_0:
0x88: {  	s2 =	sld [smem:$0x3FD9]  }
0x89: {  	s3 =	sld [smem:$0x3FFE];
	_ =	sdelay $0x1  }
0x8a: {  	s1 =	srdreg.scid  }
0x8b: {  	s0 =	sand.u32 $0x1, s1  }
0x8c: {  	s16 =	sshll.u32 s0, $0xA;
	s2 =	sadd.s32 s3, s2  }
0x8d: {  	s2 =	sadd.s32 s2, s16  }
0x8e: {  	[smem:$0x3FB5] =	sst s2  }
0x8f: {  	_ = 	snop  }
0x90: {  	(tm) =	ssettm $0x1  }
0x91: {  	s17 =	sld [smem:$0x3FFB];
	_ =	sdelay $0x3  }
0x92: {  	_ =	strace s17  }
0x93: {  	s2 =	sld [smem:$0x3FFC];
	_ =	sdelay $0x3  }
0x94: {  	_ =	strace s2  }
0x95: {  	s2 =	sld [smem:$0x3FFD];
	_ =	sdelay $0x3  }
0x96: {  	_ =	strace s2  }
0x97: {  	_ =	strace $0x8FFFFFFF  }
0x98: {  	s18 =	sld [smem:$0x3FDB];
	_ =	sdelay $0x1  }
0x99: {  	s19 =	simm.s32 $_scs_section_size  }
0x9a: {  	s4 =	simm.s32 $_size__tile_overlayer_lowered;
	s5 =	simm.s32 $_tile_overlayer_lowered  }
0x9b: {  	s22 =	simm.s32 $0x1BFF;
	s21 =	sshll.u32 s5, $0x1;
	s2 =	sadd.s32 s19, s18  }
0x9c: {  	s6 =	simm.s32 $0x0;
	s20 =	sshll.u32 s4, $0x1;
	s4 =	sadd.s32 s21, s2  }
0x9d: {  	[timem:s6], [sflag:s22] =	dma.local [hbm:s4], s20  }
0x9e: {  	_ =	swait.ge [sflag:s22], s20  }
0x9f: {  	s3 =	ssub.s32 $0x0, s20;
	[sflag:s22] =	ssyncset.done $0x0  }
0xa0: {  	[sflag:s22] =	ssyncadd.s32 s3;
	_ =	sdelay $0x1  }
0xa1: {  	s23 =	simm.s32 $0x1B8B  }
0xa2: {  	_ =	swait.ge [sflag:s23], $0x1  }
0xa3: {  	[sflag:s23] =	ssyncset.done $0x0  }
0xa4: {  	s25 =	simm.s32 $0x1B8E;
	s24 =	sld [smem:$0x3FFE];
	[sflag:s23] =	ssyncadd.s32 $0xFFFFFFFF  }
0xa5: {  	s26 =	simm.s32 $execute0_lowered;
	[smem:$0x3FD2] =	sst s25  }
0xa6: {  	s4 =	sshll.u32 s26, $0x1;
	_ =	strace $0x80000046;
	[dreg:$0x1] =	wrdreg $0xFFFFFFFF  }
0xa7: {  	s28 =	simm.s32 $_size_execute0_lowered;
	s2 =	sadd.s32 s2, s4;
	[dreg:$0x0] =	wrdreg $0x0  }
0xa8: {  	s4 =	sshll.u32 s28, $0x1;
	[dreg:$0x2] =	wrdreg s2  }
0xa9: {  	[dreg:$0x3] =	wrdreg s4  }
0xaa: {  	[dreg:$0x4] =	wrdreg $0xC0  }
0xab: {  	_ =	task [dreg:s6], $0x5FFFF  }
0xac: {  	[dreg:$0x1] =	wrdreg $0xFFFFFFFF  }
0xad: {  	[dreg:$0x0] =	wrdreg $0x60  }
0xae: {  	[dreg:$0x2] =	wrdreg s24  }
0xaf: {  	[dreg:$0x3] =	wrdreg $0x75300  }
0xb0: {  	[dreg:$0x4] =	wrdreg $0x77B00  }
0xb1: {  	[dreg:$0x5] =	wrdreg $0x9  }
0xb2: {  	_ =	task.clear_ibuf [dreg:s6], $0x6FFFF;
	_ =	strace $0x90000046  }
0xb3: {  	s29 =	simm.s32 $0x9;
	_ =	strace $0x80000048  }
0xb4: {  	_ =	swait.ge [sflag:s29], $0x1  }
0xb5: {  	[sflag:s29] =	ssyncadd.s32 $0xFFFFFFFF  }
0xb6: {  	_ =	strace $0x90000048  }
0xb7: {  	_ =	sfence  }
0xb8: {  	s30 =	sld [smem:$0x0];
	_ =	sdelay $0x2  }
0xb9: {  	s31 =	sshll.u32 s1, $0xD;
	s1 =	sshrl.u32 s1, $0x2  }
0xba: {  	s3 =	sand.u32 $0x4000, s31;
	s1 =	sadd.s32 s1, s30  }
0xbb: {  	s0 =	sor.u32 s3, s0;
	s1 =	sshll.u32 s1, $0x11  }
0xbc: {  	s0 =	sor.u32 s1, s0  }
0xbd: {  	s0 =	sadd.s32 $0x8F2B, s0  }
0xbe: {  	[sflag:s0] =	ssyncadd.remote.s32 $0x1  }
0xbf: {  	_ =	sfence.sel $0xFFFF  }
0xc0: {  	[dreg:$0x0] =	wrdreg $0xFFFFFFFF;
	(pc) =	sbr.abs _section_cstart, $3  }
0xc1: {  	[dreg:$0x1] =	wrdreg $0xFFFFFFFF  }
0xc2: {  	_ =	task.clear_ibuf [dreg:s6], $0x2FFFF;
	_ =	strace $0x9FFFFFFF  }
0xc3: {  	(tm) =	ssettm $0x7FFFFFFF  }
tec
execute0_lowered:
.L_overlay_start_1:
0x0: {  	(tag) =	ssettag $0x1  }
0x1: {  	s1 =	srdreg.scid;
	s18 =	rddreg [dreg:$0x0]  }
0x2: {  	s0 =	stileid.u32;
	s2 =	rddreg [dreg:$0x1]  }
0x3: {  	s3 =	rddreg [dreg:$0x2];
	s17 =	sand.u32 $0x1, s1;
	s29 =	sshll.u32 s0, $0x1  }
0x4: {  	s4 =	simm.s32 $0x0;
	s10 =	simm.s32 $0x2710;
	s1 =	sor.u32 s17, s29  }
0x5: {  	s11 =	simm.s32 $0x4E20;
	s9 =	sshll.u32 s0, $0x6;
	s5 =	smul.u32 $0x4E2, s1  }
0x6: {  	s14 =	smul.u32 $0x280, s0;
	[smem:$0x7FF] =	sst s4;
	s9 =	sor.u32 $0x1C03, s9  }
0x7: {  	s1 =	rddreg [dreg:$0x3];
	_ =	strace $0x80000047;
	s7 =	sadd.s32 s5, s18  }
0x8: {  	s19 =	sshrl.u32 s14, $0x3;
	s12 =	sadd.s32 s14, s2;
	s6 =	sadd.s32 $0x1EE00, s7  }
0x9: {  	[tilespmem:s4], [sflag:$0x1] =	stream.linear.gather [hbm4b:s6+s4], $0x2710, $0x38;
	[tilespmem:$0x7A30] =	vst v63  }
0xa: {  	s8 =	sadd.s32 s19, s18;
	s13 =	sshrl.u32 s12, $0x3;
	s7 =	sadd.s32 $0xB200, s7  }
0xb: {  	[tilespmem:s10], [sflag:$0x1] =	stream.linear.gather [hbm4b:s7+s4], $0x2710, $0x38;
	[tilespmem:$0x7A30] =	vst v63  }
0xc: {  	s12 =	simm.s32 $0x3;
	s5 =	sadd.s32 $0x29200, s18;
	s8 =	sadd.s32 $0x28C00, s8  }
0xd: {  	[tilespmem:s11], [sflag:$0x1] =	stream.linear.gather [hbm4b:s5+s4], $0x2710, $0x38;
	[tilespmem:$0x7A30] =	vst v63  }
0xe: {  	[spmem:s13], [sflag:s9] =	dma.local [hbm:s8], $0x50  }
0xf: {  	_ =	swait.ge [sflag:s12], $0x50  }
0x10: {  	s14 =	sadd.s32 s14, s3;
	[sflag:s12] =	ssyncset.done $0x0  }
0x11: {  	s14 =	sshrl.u32 s14, $0x3;
	[sflag:s12] =	ssyncadd.s32 $0xFFFFFFB0  }
0x12: {  	[spmem:s14], [sflag:s9] =	dma.local [hbm:s8], $0x50  }
0x13: {  	_ =	swait.ge [sflag:s12], $0x50  }
0x14: {  	[sflag:s12] =	ssyncset.done $0x0  }
0x15: {  	s15 =	simm.s32 $0x1;
	[sflag:s12] =	ssyncadd.s32 $0xFFFFFFB0  }
0x16: {  	_ =	swait.ge [sflag:s15], $0x2710  }
0x17: {  	[sflag:s15] =	ssyncset.done $0x0  }
0x18: {  	[sflag:s15] =	ssyncadd.s32 $0xFFFFD8F0  }
0x19: {  	_ =	swait.ge [sflag:s15], $0x2710  }
0x1a: {  	[sflag:s15] =	ssyncset.done $0x0  }
0x1b: {  	[sflag:s15] =	ssyncadd.s32 $0xFFFFD8F0  }
0x1c: {  	_ =	swait.ge [sflag:s15], $0x2710  }
0x1d: {  	[sflag:s15] =	ssyncset.done $0x0  }
0x1e: {  	[sflag:s15] =	ssyncadd.s32 $0xFFFFD8F0  }
0x1f: {  	[bflag:$0x0] =	sbarrier.arrive $0xFFFF  }
0x20: {  	[spmem:s2] =	stream.indirect.scatter.add.f32 [tilespmem:s11], [sflag:$0x2], $0x1, s4, s10, $0xb8;
	[tilespmem:$0x7A30] =	vst v63  }
0x21: {  	s16 =	simm.s32 $0x2  }
0x22: {  	[spmem:s3] =	stream.indirect.scatter.add.f32 [tilespmem:s11], [sflag:$0x2], $0x1, s10, s10, $0xb8;
	[tilespmem:$0x7A30] =	vst v63  }
0x23: {  	_ =	swait.ge [sflag:s16], $0x2710  }
0x24: {  	s20 =	smul.u32 $0x500, s17;
	[sflag:s16] =	ssyncset.done $0x0  }
0x25: {  	[sflag:s16] =	ssyncadd.s32 $0xFFFFD8F0  }
0x26: {  	s22 =	ssub.s32 $0x2, s17;
	s21 =	sadd.s32 s20, s18;
	_ =	swait.ge [sflag:s16], $0x2710  }
0x27: {  	s30 =	sshrl.u32 s22, $0x1;
	s21 =	sadd.s32 $0x29800, s21;
	[sflag:s16] =	ssyncset.done $0x0  }
0x28: {  	s17 =	sadd.s32 s19, s21;
	s21 =	ssub.s32 s22, s30;
	[sflag:s16] =	ssyncadd.s32 $0xFFFFD8F0  }
0x29: {  	s31 =	smax.u32 s21, $0x1;
	[bflag:$0x0] =	sbarrier.arrive $0xFFFF  }
0x2a: {  	[hbm:s17], [sflag:s9] =	dma.local [spmem:s13], $0x50  }
0x2b: {  	s18 =	sadd.s32 $0x2A200, s18;
	p0 =	sne.s32 s31, $0x1;
	_ =	swait.ge [sflag:s12], $0x50  }
.Ltmp0:
0x2c: {  	s18 =	sadd.s32 s20, s18;
	[sflag:s12] =	ssyncset.done $0x0;
	(pc) =	sbr.rel @!p0 .LBB2_2-.Ltmp0, $4  }
0x2d: {  	s18 =	sadd.s32 s19, s18;
	[sflag:s12] =	ssyncadd.s32 $0xFFFFFFB0  }
0x2e: {  	[hbm:s18], [sflag:s9] =	dma.local [spmem:s14], $0x50  }
0x2f: {  	_ =	swait.ge [sflag:s12], $0x50  }
0x30: {  	s19 =	sadd.s32 $0xFFFFFFFF, s31;
	[sflag:s12] =	ssyncset.done $0x0  }
.LBB2_1:
0x31: {  	p0 =	sne.s32 s19, $0x1;
	s19 =	sadd.s32 $0xFFFFFFFF, s19;
	[sflag:s12] =	ssyncadd.s32 $0xFFFFFFB0  }
0x32: {  	[tilespmem:s4], [sflag:$0x1] =	stream.linear.gather [hbm4b:s6+s4], $0x2710, $0x38;
	[tilespmem:$0x7A30] =	vst v63  }
0x33: {  	_ = 	snop  }
0x34: {  	[tilespmem:s10], [sflag:$0x1] =	stream.linear.gather [hbm4b:s7+s4], $0x2710, $0x38;
	[tilespmem:$0x7A30] =	vst v63  }
0x35: {  	_ = 	snop  }
0x36: {  	[tilespmem:s11], [sflag:$0x1] =	stream.linear.gather [hbm4b:s5+s4], $0x2710, $0x38;
	[tilespmem:$0x7A30] =	vst v63  }
0x37: {  	[spmem:s13], [sflag:s9] =	dma.local [hbm:s8], $0x50  }
0x38: {  	_ =	swait.ge [sflag:s12], $0x50  }
0x39: {  	[sflag:s12] =	ssyncset.done $0x0  }
0x3a: {  	[sflag:s12] =	ssyncadd.s32 $0xFFFFFFB0  }
0x3b: {  	[spmem:s14], [sflag:s9] =	dma.local [hbm:s8], $0x50  }
0x3c: {  	_ =	swait.ge [sflag:s12], $0x50  }
0x3d: {  	[sflag:s12] =	ssyncset.done $0x0  }
0x3e: {  	[sflag:s12] =	ssyncadd.s32 $0xFFFFFFB0  }
0x3f: {  	_ =	swait.ge [sflag:s15], $0x2710  }
0x40: {  	[sflag:s15] =	ssyncset.done $0x0  }
0x41: {  	[sflag:s15] =	ssyncadd.s32 $0xFFFFD8F0  }
0x42: {  	_ =	swait.ge [sflag:s15], $0x2710  }
0x43: {  	[sflag:s15] =	ssyncset.done $0x0  }
0x44: {  	[sflag:s15] =	ssyncadd.s32 $0xFFFFD8F0  }
0x45: {  	_ =	swait.ge [sflag:s15], $0x2710  }
0x46: {  	[sflag:s15] =	ssyncset.done $0x0  }
0x47: {  	[sflag:s15] =	ssyncadd.s32 $0xFFFFD8F0  }
0x48: {  	[bflag:$0x0] =	sbarrier.arrive $0xFFFF  }
0x49: {  	[spmem:s2] =	stream.indirect.scatter.add.f32 [tilespmem:s11], [sflag:$0x2], $0x1, s4, s10, $0xb8;
	[tilespmem:$0x7A30] =	vst v63  }
0x4a: {  	_ = 	snop  }
0x4b: {  	[spmem:s3] =	stream.indirect.scatter.add.f32 [tilespmem:s11], [sflag:$0x2], $0x1, s10, s10, $0xb8;
	[tilespmem:$0x7A30] =	vst v63  }
0x4c: {  	_ =	swait.ge [sflag:s16], $0x2710  }
0x4d: {  	[sflag:s16] =	ssyncset.done $0x0  }
0x4e: {  	[sflag:s16] =	ssyncadd.s32 $0xFFFFD8F0  }
0x4f: {  	_ =	swait.ge [sflag:s16], $0x2710  }
0x50: {  	[sflag:s16] =	ssyncset.done $0x0  }
0x51: {  	[sflag:s16] =	ssyncadd.s32 $0xFFFFD8F0  }
0x52: {  	[bflag:$0x0] =	sbarrier.arrive $0xFFFF  }
0x53: {  	[hbm:s17], [sflag:s9] =	dma.local [spmem:s13], $0x50  }
0x54: {  	_ =	swait.ge [sflag:s12], $0x50  }
.Ltmp1:
0x55: {  	[sflag:s12] =	ssyncset.done $0x0;
	(pc) =	sbr.rel @p0 .LBB2_1-.Ltmp1, $4  }
0x56: {  	[sflag:s12] =	ssyncadd.s32 $0xFFFFFFB0  }
0x57: {  	[hbm:s18], [sflag:s9] =	dma.local [spmem:s14], $0x50  }
0x58: {  	_ =	swait.ge [sflag:s12], $0x50  }
0x59: {  	[sflag:s12] =	ssyncset.done $0x0  }
.LBB2_2:
0x5a: {  	[sflag:s12] =	ssyncadd.s32 $0xFFFFFFB0  }
0x5b: {  	_ =	sfence.sel $0x180000  }
0x5c: {  	[bflag:$0x0] =	sbarrier.arrive $0xFFFF  }
0x5d: {  	p0 =	sne.s32 s0, $0x0;
	_ =	strace $0x90000047  }
0x5e: {  	s0 =	sadd.s32 @!p0 $0x100000, s1;
	[bflag:$0x2] =	sbarrier.arrive $0xFFFF  }
0x5f: {  	[sflag:s0] =	ssyncadd.tile.s32 @!p0 $0x1;
	_ =	shalt  }
.Lfunc_end2:
_tile_overlayer_lowered:
.L_overlay_start_2:
0x60: {  	(tag) =	ssettag $0x2  }
0x61: {  	s0 =	rddreg [dreg:$0x0];
	s2 =	stileid.u32  }
0x62: {  	s1 =	rddreg [dreg:$0x1];
	p0 =	sne.s32 s2, $0x0  }
0x63: {  	s3 =	rddreg [dreg:$0x2];
	[bflag:$0x3] =	sbarrier.arrive $0xFFFF;
	s2 =	simm.s32 @!p0 $0x1C03  }
0x64: {  	[timem:s3], [sflag:s2] =	dma.local @!p0 [hbm:s0], s1  }
0x65: {  	s0 =	simm.s32 @!p0 $0x3  }
0x66: {  	_ =	swait.ge @!p0 [sflag:s0], s1  }
0x67: {  	s1 =	ssub.s32 @!p0 $0x0, s1;
	[sflag:s0] =	ssyncset.done @!p0 $0x0  }
0x68: {  	[sflag:s0] =	ssyncadd.s32 @!p0 s1  }
0x69: {  	[bflag:$0x3] =	sbarrier.arrive $0xFFFF  }
0x6a: {  	_ =	shalt  }

// kernel: kernel.8.cloned.1.call-start
scs
__scs_entry_jumppad:
0x0: {  	(pc) =	sbr.rel $0x88, $3  }
0x1: {  	(tag) =	ssettag $0x0;
	lr =	simm.s32 $0x1  }
0x2: {  	[smem:$0x3F8E] =	sst lr;
	_ =	strace $0xD0000000  }
0x3: {  	_ = 	snop  }
0x4: {  	_ = 	snop  }
0x5: {  	_ = 	snop  }
0x6: {  	_ = 	snop  }
0x7: {  	_ = 	snop  }
__scs_overlays_trampoline_lowered:
0x8: {  	[smem:$0x3F9D] =	sst s0  }
0x9: {  	[smem:$0x3F9E] =	sst s1  }
0xa: {  	[smem:$0x3F9F] =	sst s2  }
0xb: {  	[smem:$0x3FA0] =	sst s3  }
0xc: {  	[smem:$0x3FA1] =	sst s4  }
0xd: {  	[smem:$0x3FA2] =	sst s5  }
0xe: {  	[smem:$0x3FA3] =	sst s6  }
0xf: {  	[smem:$0x3FA4] =	sst s7  }
0x10: {  	[smem:$0x3FA5] =	sst s8  }
0x11: {  	[smem:$0x3FA6] =	sst s9;
	s0 =	simm.s32 @!p0 $0x0  }
0x12: {  	s1 =	sld [smem:$0x3F8C];
	s0 =	simm.s32 @p0 $0x1  }
0x13: {  	[smem:$0x3FA7] =	sst s0;
	s0 =	simm.s32 @!p1 $0x0  }
0x14: {  	s2 =	sld [smem:$0x3F8B];
	s0 =	simm.s32 @p1 $0x1  }
0x15: {  	[smem:$0x3FA8] =	sst s0;
	s0 =	simm.s32 @!p2 $0x0  }
0x16: {  	s3 =	sld [smem:$0x3FDB];
	s0 =	simm.s32 @p2 $0x1  }
0x17: {  	s4 =	simm.s32 $0x1BF5;
	[smem:$0x3FAA] =	sst s0  }
0x18: {  	s0 =	sld [smem:$0x3F8D];
	_ =	swait.ge [sflag:s4], $0x0  }
0x19: {  	s7 =	sld [smem:$0x3F8E]  }
0x1a: {  	s8 =	sadd.s32 $0xFFFFE003, lr  }
0x1b: {  	s9 =	sadd.s32 $0xFFFFFEF7, lr;
	s5 =	simm.s32 $0xFFFFFFFF;
	p2 =	slt.u32 s8, $0xFFFFF086  }
0x1c: {  	p1 =	slt.u32 s9, $0xF7A;
	s5 =	simm.s32 @!p2 $0x0  }
0x1d: {  	s5 =	simm.s32 @p1 $0x1;
	p0 =	seq.s32 s7, s2  }
0x1e: {  	s7 =	smul.u32 @!p0 $0xF7A, s2;
	p2 =	seq.s32 @!p0 s5, $0x0  }
0x1f: {  	s9 =	smul.u32 $0xF7A, s1;
	s8 =	simm.s32 @!p0 $0x1BF5;
	p2 =	por !p2, p0  }
0x20: {  	[sflag:s8] =	ssyncset.s32 @!p0 $0xFFFFF086;
	s6 =	sadd.s32 @!p0 s3, s7;
	s7 =	simm.s32 @!p0 $0x108  }
0x21: {  	s3 =	sadd.s32 s3, s9;
	s6 =	sadd.s32 @!p0 $0x88, s6;
	s7 =	simm.s32 @p2 $0x1082  }
0x22: {  	[simem:s7], [sflag:s8] =	dma.local @!p0 [hbm:s6], $0xF7A  }
0x23: {  	s9 =	sor.u32 $0xD0000000, s2;
	s6 =	simm.s32 $0x108;
	_ =	swait.ge @!p0 [sflag:s8], $0x0  }
0x24: {  	s3 =	sadd.s32 $0x88, s3;
	s6 =	simm.s32 @!p1 $0x1082;
	[sflag:s4] =	ssyncset.s32 $0xFFFFF086  }
0x25: {  	[simem:s6], [sflag:s4] =	dma.local [hbm:s3], $0xF7A  }
0x26: {  	[smem:$0x3F8E] =	sst s1;
	(tag) =	ssettag s2;
	_ =	strace s9  }
0x27: {  	s1 =	sld [smem:$0x3F9E]  }
0x28: {  	s2 =	sld [smem:$0x3F9F]  }
0x29: {  	s4 =	sld [smem:$0x3FA1]  }
0x2a: {  	p0 =	seq.s32 s5, $0x0;
	s5 =	sld [smem:$0x3FA2]  }
0x2b: {  	s6 =	sld [smem:$0x3FA3]  }
0x2c: {  	s7 =	sld [smem:$0x3FA4]  }
0x2d: {  	s3 =	simm.s32 $0x108;
	s8 =	sld [smem:$0x3FA5]  }
0x2e: {  	s3 =	simm.s32 @!p0 $0x1082;
	s9 =	sld [smem:$0x3FA6]  }
0x2f: {  	lr =	sadd.s32 s0, s3;
	s0 =	sld [smem:$0x3F9D]  }
0x30: {  	s3 =	sld [smem:$0x3FA0]  }
0x31: {  	[smem:$0x3FA9] =	sst s10  }
0x32: {  	s10 =	sld [smem:$0x3FA7];
	_ =	sdelay $0x3  }
0x33: {  	p0 =	seq.s32 s10, $0x1;
	s10 =	sld [smem:$0x3FA9];
	_ =	sdelay $0x3  }
0x34: {  	[smem:$0x3FA9] =	sst s10  }
0x35: {  	s10 =	sld [smem:$0x3FA8];
	_ =	sdelay $0x3  }
0x36: {  	p1 =	seq.s32 s10, $0x1;
	s10 =	sld [smem:$0x3FA9];
	_ =	sdelay $0x3  }
0x37: {  	[smem:$0x3FA9] =	sst s10  }
0x38: {  	s10 =	sld [smem:$0x3FAA]  }
0x39: {  	_ = 	snop;
	(pc) =	sbr.ind lr, $3  }
0x3a: {  	_ = 	snop  }
0x3b: {  	_ = 	snop  }
0x3c: {  	p2 =	seq.s32 s10, $0x1;
	s10 =	sld [smem:$0x3FA9]  }
0x3d: {  	_ =	shalt  }
0x3e: {  	_ =	shalt  }
0x3f: {  	_ =	shalt  }
0x40: {  	_ =	shalt  }
0x41: {  	_ =	shalt  }
0x42: {  	_ =	shalt  }
0x43: {  	_ =	shalt  }
0x44: {  	_ =	shalt  }
0x45: {  	_ =	shalt  }
0x46: {  	_ =	shalt  }
0x47: {  	_ =	shalt  }
0x48: {  	_ =	shalt  }
0x49: {  	_ =	shalt  }
0x4a: {  	_ =	shalt  }
0x4b: {  	_ =	shalt  }
0x4c: {  	_ =	shalt  }
0x4d: {  	_ =	shalt  }
0x4e: {  	_ =	shalt  }
0x4f: {  	_ =	shalt  }
0x50: {  	_ =	shalt  }
0x51: {  	_ =	shalt  }
0x52: {  	_ =	shalt  }
0x53: {  	_ =	shalt  }
0x54: {  	_ =	shalt  }
0x55: {  	_ =	shalt  }
0x56: {  	_ =	shalt  }
0x57: {  	_ =	shalt  }
0x58: {  	_ =	shalt  }
0x59: {  	_ =	shalt  }
0x5a: {  	_ =	shalt  }
0x5b: {  	_ =	shalt  }
0x5c: {  	_ =	shalt  }
0x5d: {  	_ =	shalt  }
0x5e: {  	_ =	shalt  }
0x5f: {  	_ =	shalt  }
0x60: {  	_ =	shalt  }
0x61: {  	_ =	shalt  }
0x62: {  	_ =	shalt  }
0x63: {  	_ =	shalt  }
0x64: {  	_ =	shalt  }
0x65: {  	_ =	shalt  }
0x66: {  	_ =	shalt  }
0x67: {  	_ =	shalt  }
0x68: {  	_ =	shalt  }
0x69: {  	_ =	shalt  }
0x6a: {  	_ =	shalt  }
0x6b: {  	_ =	shalt  }
0x6c: {  	_ =	shalt  }
0x6d: {  	_ =	shalt  }
0x6e: {  	_ =	shalt  }
0x6f: {  	_ =	shalt  }
0x70: {  	_ =	shalt  }
0x71: {  	_ =	shalt  }
0x72: {  	_ =	shalt  }
0x73: {  	_ =	shalt  }
0x74: {  	_ =	shalt  }
0x75: {  	_ =	shalt  }
0x76: {  	_ =	shalt  }
0x77: {  	_ =	shalt  }
0x78: {  	_ =	shalt  }
0x79: {  	_ =	shalt  }
0x7a: {  	_ =	shalt  }
0x7b: {  	_ =	shalt  }
0x7c: {  	_ =	shalt  }
0x7d: {  	_ =	shalt  }
0x7e: {  	_ =	shalt  }
0x7f: {  	_ =	shalt  }
0x80: {  	_ =	shalt  }
0x81: {  	_ =	shalt  }
0x82: {  	_ =	shalt  }
0x83: {  	_ =	shalt  }
0x84: {  	_ =	shalt  }
0x85: {  	_ =	shalt  }
0x86: {  	_ =	shalt  }
0x87: {  	_ =	shalt  }
.Lfunc_end0:
.L_simem_size_0:
called_computation.1_lowered:
.L_overlay_start_0:
0x88: {  	s2 =	sld [smem:$0x3FD9]  }
0x89: {  	s3 =	sld [smem:$0x3FFE];
	_ =	sdelay $0x1  }
0x8a: {  	s1 =	srdreg.scid  }
0x8b: {  	s0 =	sand.u32 $0x1, s1  }
0x8c: {  	s16 =	sshll.u32 s0, $0xA;
	s2 =	sadd.s32 s3, s2  }
0x8d: {  	s2 =	sadd.s32 s2, s16  }
0x8e: {  	[smem:$0x3FB5] =	sst s2  }
0x8f: {  	_ = 	snop  }
0x90: {  	(tm) =	ssettm $0x1  }
0x91: {  	s17 =	sld [smem:$0x3FFB];
	_ =	sdelay $0x3  }
0x92: {  	_ =	strace s17  }
0x93: {  	s2 =	sld [smem:$0x3FFC];
	_ =	sdelay $0x3  }
0x94: {  	_ =	strace s2  }
0x95: {  	s2 =	sld [smem:$0x3FFD];
	_ =	sdelay $0x3  }
0x96: {  	_ =	strace s2  }
0x97: {  	_ =	strace $0x8FFFFFFF  }
0x98: {  	s18 =	sld [smem:$0x3FDB];
	_ =	sdelay $0x1  }
0x99: {  	s19 =	simm.s32 $_scs_section_size  }
0x9a: {  	s4 =	simm.s32 $_size__tile_overlayer_lowered;
	s5 =	simm.s32 $_tile_overlayer_lowered  }
0x9b: {  	s22 =	simm.s32 $0x1BFF;
	s21 =	sshll.u32 s5, $0x1;
	s2 =	sadd.s32 s19, s18  }
0x9c: {  	s6 =	simm.s32 $0x0;
	s20 =	sshll.u32 s4, $0x1;
	s4 =	sadd.s32 s21, s2  }
0x9d: {  	[timem:s6], [sflag:s22] =	dma.local [hbm:s4], s20  }
0x9e: {  	_ =	swait.ge [sflag:s22], s20  }
0x9f: {  	s3 =	ssub.s32 $0x0, s20;
	[sflag:s22] =	ssyncset.done $0x0  }
0xa0: {  	[sflag:s22] =	ssyncadd.s32 s3;
	_ =	sdelay $0x1  }
0xa1: {  	s23 =	simm.s32 $0x1B8B  }
0xa2: {  	_ =	swait.ge [sflag:s23], $0x1  }
0xa3: {  	[sflag:s23] =	ssyncset.done $0x0  }
0xa4: {  	s25 =	simm.s32 $0x1B8E;
	s24 =	sld [smem:$0x3FFE];
	[sflag:s23] =	ssyncadd.s32 $0xFFFFFFFF  }
0xa5: {  	s26 =	simm.s32 $execute0_lowered;
	[smem:$0x3FD2] =	sst s25  }
0xa6: {  	s4 =	sshll.u32 s26, $0x1;
	_ =	strace $0x80000049;
	[dreg:$0x1] =	wrdreg $0xFFFFFFFF  }
0xa7: {  	s28 =	simm.s32 $_size_execute0_lowered;
	s2 =	sadd.s32 s2, s4;
	[dreg:$0x0] =	wrdreg $0x0  }
0xa8: {  	s4 =	sshll.u32 s28, $0x1;
	[dreg:$0x2] =	wrdreg s2  }
0xa9: {  	[dreg:$0x3] =	wrdreg s4  }
0xaa: {  	[dreg:$0x4] =	wrdreg $0xC0  }
0xab: {  	_ =	task [dreg:s6], $0x5FFFF  }
0xac: {  	[dreg:$0x1] =	wrdreg $0xFFFFFFFF  }
0xad: {  	[dreg:$0x0] =	wrdreg $0x60  }
0xae: {  	[dreg:$0x2] =	wrdreg s24  }
0xaf: {  	[dreg:$0x3] =	wrdreg $0x197300  }
0xb0: {  	[dreg:$0x4] =	wrdreg $0x1BF300  }
0xb1: {  	[dreg:$0x5] =	wrdreg $0x1E7300  }
0xb2: {  	[dreg:$0x6] =	wrdreg $0x1E9B00  }
0xb3: {  	[dreg:$0x7] =	wrdreg $0x9  }
0xb4: {  	_ =	task.clear_ibuf [dreg:s6], $0x8FFFF;
	_ =	strace $0x90000049  }
0xb5: {  	s29 =	simm.s32 $0x9;
	_ =	strace $0x8000004B  }
0xb6: {  	_ =	swait.ge [sflag:s29], $0x1  }
0xb7: {  	[sflag:s29] =	ssyncadd.s32 $0xFFFFFFFF  }
0xb8: {  	_ =	strace $0x9000004B  }
0xb9: {  	_ =	sfence  }
0xba: {  	s30 =	sld [smem:$0x0];
	_ =	sdelay $0x2  }
0xbb: {  	s31 =	sshll.u32 s1, $0xD;
	s1 =	sshrl.u32 s1, $0x2  }
0xbc: {  	s3 =	sand.u32 $0x4000, s31;
	s1 =	sadd.s32 s1, s30  }
0xbd: {  	s0 =	sor.u32 s3, s0;
	s1 =	sshll.u32 s1, $0x11  }
0xbe: {  	s0 =	sor.u32 s1, s0  }
0xbf: {  	s0 =	sadd.s32 $0x8F2B, s0  }
0xc0: {  	[sflag:s0] =	ssyncadd.remote.s32 $0x1  }
0xc1: {  	_ =	sfence.sel $0xFFFF  }
0xc2: {  	[dreg:$0x0] =	wrdreg $0xFFFFFFFF;
	(pc) =	sbr.abs _section_cstart, $3  }
0xc3: {  	[dreg:$0x1] =	wrdreg $0xFFFFFFFF  }
0xc4: {  	_ =	task.clear_ibuf [dreg:s6], $0x2FFFF;
	_ =	strace $0x9FFFFFFF  }
0xc5: {  	(tm) =	ssettm $0x7FFFFFFF  }
tec
execute0_lowered:
.L_overlay_start_1:
0x0: {  	(tag) =	ssettag $0x1  }
0x1: {  	s0 =	rddreg [dreg:$0x0]  }
0x2: {  	s1 =	rddreg [dreg:$0x1]  }
0x3: {  	s2 =	rddreg [dreg:$0x2]  }
0x4: {  	s3 =	srdreg.scid;
	s18 =	rddreg [dreg:$0x3]  }
0x5: {  	s17 =	stileid.u32;
	s19 =	rddreg [dreg:$0x4];
	s6 =	simm.s32 $0x0  }
0x6: {  	s28 =	simm.s32 $0x5;
	s3 =	sand.u32 $0x1, s3;
	s4 =	sshll.u32 s17, $0x1  }
0x7: {  	[smem:$0x7FF] =	sst s6;
	s5 =	smul.u32 $0x2800, s17;
	s8 =	sadd.s32 $0x1EE00, s0  }
0x8: {  	s10 =	sadd.s32 $0xB200, s0;
	s4 =	sor.u32 s3, s4;
	s7 =	smul.u32 $0x5000, s3  }
0x9: {  	_ =	strace $0x8000004A;
	s12 =	ssub.s32 $0x2, s3;
	s4 =	smul.u32 $0x2710, s4  }
0xa: {  	s3 =	smul.u32 $0x500, s3;
	s11 =	sshrl.u32 s5, $0x3;
	s13 =	sshrl.u32 s12, $0x1  }
0xb: {  	s7 =	sadd.s32 s7, s0;
	s12 =	ssub.s32 s12, s13;
	s4 =	sshrl.u32 s4, $0x3  }
0xc: {  	s3 =	sadd.s32 s3, s0;
	s9 =	sadd.s32 s4, s0;
	s14 =	sadd.s32 $0xFA, s4  }
0xd: {  	s29 =	sadd.s32 s8, s4;
	s31 =	sadd.s32 $0x1F4, s4;
	s15 =	sadd.s32 $0x2EE, s4  }
0xe: {  	s16 =	sadd.s32 $0x3E8, s4;
	s4 =	sadd.s32 s10, s4;
	[dreg:$0x6] =	wrdreg s29  }
0xf: {  	s26 =	sadd.s32 $0x3A200, s7;
	s30 =	sadd.s32 s8, s14;
	[dreg:$0xb] =	wrdreg s4  }
0x10: {  	s7 =	sadd.s32 $0x44200, s7;
	s20 =	sadd.s32 s8, s31;
	[dreg:$0x7] =	wrdreg s30  }
0x11: {  	s21 =	sadd.s32 s8, s15;
	s8 =	sadd.s32 s8, s16;
	[dreg:$0x8] =	wrdreg s20  }
0x12: {  	s22 =	sadd.s32 s10, s14;
	s23 =	sadd.s32 s10, s31;
	[dreg:$0x9] =	wrdreg s21  }
0x13: {  	s24 =	sadd.s32 s10, s15;
	s25 =	sadd.s32 s10, s16;
	[dreg:$0xa] =	wrdreg s8  }
0x14: {  	s29 =	smul.u32 $0x280, s17;
	s4 =	sadd.s32 s11, s26;
	[dreg:$0xc] =	wrdreg s22  }
0x15: {  	s31 =	sadd.s32 s11, s0;
	s10 =	sadd.s32 $0x39800, s3;
	[dreg:$0xd] =	wrdreg s23  }
0x16: {  	s3 =	sadd.s32 $0x38E00, s3;
	s14 =	sadd.s32 $0x29800, s0;
	[dreg:$0xe] =	wrdreg s24  }
0x17: {  	s16 =	sshll.u32 s17, $0x6;
	s17 =	sadd.s32 s5, s1;
	[dreg:$0xf] =	wrdreg s25  }
0x18: {  	[dreg:$0x10] =	wrdreg s4;
	s30 =	sadd.s32 s11, s7;
	s21 =	sadd.s32 $0x2EE00, s0  }
0x19: {  	s22 =	sadd.s32 $0x29E00, s0;
	[dreg:$0x14] =	wrdreg s14;
	s15 =	sadd.s32 $0x33E00, s31  }
0x1a: {  	s26 =	sor.u32 $0x1C07, s16;
	[dreg:$0x17] =	wrdreg s17;
	s20 =	sadd.s32 s5, s2  }
0x1b: {  	s31 =	smax.u32 s12, $0x1;
	s8 =	simm.s32 $0x2710;
	[dreg:$0x11] =	wrdreg s30  }
0x1c: {  	s12 =	simm.s32 $0x4650;
	s14 =	simm.s32 $0x1;
	[dreg:$0x16] =	wrdreg s15  }
0x1d: {  	s16 =	simm.s32 $0x7D0;
	s17 =	simm.s32 $0x4E20;
	[dreg:$0x18] =	wrdreg s20  }
0x1e: {  	s11 =	sshrl.u32 s29, $0x3;
	s24 =	sadd.s32 s29, s18;
	[dreg:$0x1e] =	wrdreg s31  }
0x1f: {  	s25 =	sadd.s32 s29, s19;
	s29 =	sadd.s32 $0x15000, s9;
	[dreg:$0x1a] =	wrdreg s24  }
0x20: {  	s30 =	sadd.s32 $0x1400, s9;
	s9 =	simm.s32 $0x2EE0;
	[dreg:$0x1b] =	wrdreg s25  }
0x21: {  	s18 =	simm.s32 $0x2;
	s19 =	simm.s32 $0xCB20;
	[dreg:$0x1c] =	wrdreg s29  }
0x22: {  	s20 =	simm.s32 $0x3;
	s7 =	sadd.s32 s11, s10;
	[dreg:$0x1d] =	wrdreg s30  }
0x23: {  	s3 =	sadd.s32 s11, s3;
	s13 =	sadd.s32 s11, s0;
	[dreg:$0x12] =	wrdreg s7  }
0x24: {  	s0 =	sadd.s32 $0x29200, s0;
	s10 =	simm.s32 $0x36B0;
	[dreg:$0x13] =	wrdreg s3  }
0x25: {  	s11 =	simm.s32 $0x3E80;
	[dreg:$0x15] =	wrdreg s0;
	s23 =	sadd.s32 $0x28C00, s13  }
0x26: {  	s7 =	simm.s32 $0x14820;
	s13 =	simm.s32 $0x7;
	s3 =	simm.s32 $0x6  }
0x27: {  	s0 =	simm.s32 $0x0;
	[dreg:$0x19] =	wrdreg s23;
	s23 =	simm.s32 $0x4  }
.LBB2_1:
0x28: {  	s4 =	rddreg [dreg:$0x14]  }
0x29: {  	s24 =	rddreg [dreg:$0x1c]  }
0x2a: {  	s25 =	rddreg [dreg:$0x6]  }
0x2b: {  	[tilespmem:s7], [sflag:$0x1] =	stream.linear.gather [hbm4b:s4+s6], $0x2800, $0x38;
	[tilespmem:$0x1EC30] =	vst v63  }
0x2c: {  	s30 =	rddreg [dreg:$0x7]  }
0x2d: {  	[tilespmem:s6], [sflag:$0x1] =	stream.linear.gather [hbm4b:s24+s6], $0x2710, $0x38;
	[tilespmem:$0x1EC30] =	vst v63  }
0x2e: {  	s5 =	rddreg [dreg:$0x8]  }
0x2f: {  	[tilespmem:s8], [sflag:$0x1] =	stream.linear.gather [hbm4b:s25+s6], $0x7D0, $0x38;
	[tilespmem:$0x1EC30] =	vst v63  }
0x30: {  	s15 =	rddreg [dreg:$0x9]  }
0x31: {  	[tilespmem:s9], [sflag:$0x1] =	stream.linear.gather [hbm4b:s30+s6], $0x7D0, $0x38;
	[tilespmem:$0x1EC30] =	vst v63  }
0x32: {  	s24 =	rddreg [dreg:$0xa]  }
0x33: {  	[tilespmem:s10], [sflag:$0x1] =	stream.linear.gather [hbm4b:s5+s6], $0x7D0, $0x38;
	[tilespmem:$0x1EC30] =	vst v63  }
0x34: {  	s25 =	rddreg [dreg:$0x17]  }
0x35: {  	[tilespmem:s11], [sflag:$0x1] =	stream.linear.gather [hbm4b:s15+s6], $0x7D0, $0x38;
	[tilespmem:$0x1EC30] =	vst v63  }
0x36: {  	s4 =	sshrl.u32 s25, $0x3;
	s15 =	rddreg [dreg:$0x16]  }
0x37: {  	[tilespmem:s12], [sflag:$0x1] =	stream.linear.gather [hbm4b:s24+s6], $0x7D0, $0x38;
	[tilespmem:$0x1EC30] =	vst v63  }
0x38: {  	[spmem:s4], [sflag:s26] =	dma.local [hbm:s15], $0x500  }
0x39: {  	_ =	swait.ge [sflag:s13], $0x500  }
0x3a: {  	[sflag:s13] =	ssyncset.done $0x0;
	s5 =	rddreg [dreg:$0x18]  }
0x3b: {  	[sflag:s13] =	ssyncadd.s32 $0xFFFFFB00;
	s5 =	sshrl.u32 s5, $0x3  }
0x3c: {  	[spmem:s5], [sflag:s26] =	dma.local [hbm:s15], $0x500  }
0x3d: {  	_ =	swait.ge [sflag:s13], $0x500  }
0x3e: {  	[sflag:s13] =	ssyncset.done $0x0;
	s30 =	rddreg [dreg:$0x1a]  }
0x3f: {  	s25 =	rddreg [dreg:$0x19];
	[sflag:s13] =	ssyncadd.s32 $0xFFFFFB00;
	s15 =	sshrl.u32 s30, $0x3  }
0x40: {  	[spmem:s15], [sflag:s26] =	dma.local [hbm:s25], $0x50  }
0x41: {  	_ =	swait.ge [sflag:s13], $0x50  }
0x42: {  	[sflag:s13] =	ssyncset.done $0x0;
	s24 =	rddreg [dreg:$0x1b]  }
0x43: {  	[sflag:s13] =	ssyncadd.s32 $0xFFFFFFB0;
	s24 =	sshrl.u32 s24, $0x3  }
0x44: {  	[spmem:s24], [sflag:s26] =	dma.local [hbm:s25], $0x50  }
0x45: {  	_ =	swait.ge [sflag:s13], $0x50  }
0x46: {  	[sflag:s13] =	ssyncset.done $0x0  }
0x47: {  	[sflag:s13] =	ssyncadd.s32 $0xFFFFFFB0  }
0x48: {  	[bflag:$0x0] =	sbarrier.arrive $0xFFFF  }
0x49: {  	_ =	swait.ge [sflag:s14], $0x2800  }
0x4a: {  	[sflag:s14] =	ssyncset.done $0x0  }
0x4b: {  	[sflag:s14] =	ssyncadd.s32 $0xFFFFD800  }
0x4c: {  	_ =	swait.ge [sflag:s14], $0x2710  }
0x4d: {  	[sflag:s14] =	ssyncset.done $0x0  }
0x4e: {  	[sflag:s14] =	ssyncadd.s32 $0xFFFFD8F0  }
0x4f: {  	_ =	swait.ge [sflag:s14], $0x7D0  }
0x50: {  	[sflag:s14] =	ssyncset.done $0x0  }
0x51: {  	[sflag:s14] =	ssyncadd.s32 $0xFFFFF830  }
0x52: {  	_ =	swait.ge [sflag:s14], $0x7D0  }
0x53: {  	[sflag:s14] =	ssyncset.done $0x0  }
0x54: {  	[sflag:s14] =	ssyncadd.s32 $0xFFFFF830  }
0x55: {  	_ =	swait.ge [sflag:s14], $0x7D0  }
0x56: {  	[sflag:s14] =	ssyncset.done $0x0  }
0x57: {  	[sflag:s14] =	ssyncadd.s32 $0xFFFFF830  }
0x58: {  	_ =	swait.ge [sflag:s14], $0x7D0  }
0x59: {  	[sflag:s14] =	ssyncset.done $0x0  }
0x5a: {  	[sflag:s14] =	ssyncadd.s32 $0xFFFFF830  }
0x5b: {  	_ =	swait.ge [sflag:s14], $0x7D0  }
0x5c: {  	[sflag:s14] =	ssyncset.done $0x0  }
0x5d: {  	s29 =	simm.s32 $0x0;
	[sflag:s14] =	ssyncadd.s32 $0xFFFFF830  }
0x5e: {  	v0 =	vld [tilespmem:s29+$0x2710];
	_ =	sdelay $0x7  }
0x5f: {  	s31 =	simm.s32 $0x10;
	s25 =	simm.s32 $0x80;
	v0 =	vld.idx.msk [tilespmem:v0+s7+$0x0], $0xffff  }
.LBB2_2:
0x60: {  	p0 =	sne.s32 s25, $0x1F00;
	v1 =	vld [tilespmem:s31+$0x2710];
	_ =	sdelay $0x3  }
.Ltmp0:
0x61: {  	(pc) =	sbr.rel @p0 .LBB2_2-.Ltmp0, $2  }
0x62: {  	[tilespmem:s29+$0x17020] =	vst v0;
	s29 =	smov.u32 s31;
	_ =	sdelay $0x2  }
0x63: {  	s31 =	sshra.s32 s25, $0x2;
	s25 =	sadd.s32 $0x40, s25;
	v0 =	vld.idx.msk [tilespmem:v1+s7+$0x0], $0xffff  }
0x64: {  	v1 =	vld [tilespmem:s31+$0x2710];
	_ =	sdelay $0x6  }
0x65: {  	[tilespmem:s29+$0x17020] =	vst v0  }
0x66: {  	v0 =	vld.idx.msk [tilespmem:v1+s7+$0x0], $0xffff;
	_ =	sdelay $0x4  }
0x67: {  	s29 =	simm.s32 $0x0;
	[tilespmem:s31+$0x17020] =	vst v0  }
0x68: {  	v0 =	vld [tilespmem:s29+$0x2EE0];
	_ =	sdelay $0x7  }
0x69: {  	s25 =	simm.s32 $0x80;
	s30 =	simm.s32 $0x0;
	s31 =	simm.s32 $0x10;
	v0 =	vld.idx.msk [tilespmem:v0+s7+$0x0], $0xffff  }
.LBB2_4:
0x6a: {  	p0 =	sne.s32 s25, $0x1F00;
	v1 =	vld [tilespmem:s31+$0x2EE0];
	_ =	sdelay $0x3  }
.Ltmp1:
0x6b: {  	(pc) =	sbr.rel @p0 .LBB2_4-.Ltmp1, $2  }
0x6c: {  	[tilespmem:s30+$0x177F0] =	vst v0;
	s30 =	smov.u32 s31;
	_ =	sdelay $0x2  }
0x6d: {  	s31 =	sshra.s32 s25, $0x2;
	s25 =	sadd.s32 $0x40, s25;
	v0 =	vld.idx.msk [tilespmem:v1+s7+$0x0], $0xffff  }
0x6e: {  	v1 =	vld [tilespmem:s31+$0x2EE0];
	_ =	sdelay $0x6  }
0x6f: {  	[tilespmem:s30+$0x177F0] =	vst v0  }
0x70: {  	v0 =	vld.idx.msk [tilespmem:v1+s7+$0x0], $0xffff;
	_ =	sdelay $0x4  }
0x71: {  	[tilespmem:s31+$0x177F0] =	vst v0  }
0x72: {  	v0 =	vld [tilespmem:s29+$0x36B0];
	_ =	sdelay $0x7  }
0x73: {  	s25 =	simm.s32 $0x80;
	s31 =	simm.s32 $0x10;
	v0 =	vld.idx.msk [tilespmem:v0+s7+$0x0], $0xffff  }
.LBB2_6:
0x74: {  	p0 =	sne.s32 s25, $0x1F00;
	v1 =	vld [tilespmem:s31+$0x36B0];
	_ =	sdelay $0x3  }
.Ltmp2:
0x75: {  	(pc) =	sbr.rel @p0 .LBB2_6-.Ltmp2, $2  }
0x76: {  	[tilespmem:s29+$0x17FC0] =	vst v0;
	s29 =	smov.u32 s31;
	_ =	sdelay $0x2  }
0x77: {  	s31 =	sshra.s32 s25, $0x2;
	s25 =	sadd.s32 $0x40, s25;
	v0 =	vld.idx.msk [tilespmem:v1+s7+$0x0], $0xffff  }
0x78: {  	v1 =	vld [tilespmem:s31+$0x36B0];
	_ =	sdelay $0x6  }
0x79: {  	[tilespmem:s29+$0x17FC0] =	vst v0  }
0x7a: {  	v0 =	vld.idx.msk [tilespmem:v1+s7+$0x0], $0xffff;
	_ =	sdelay $0x4  }
0x7b: {  	s29 =	simm.s32 $0x0;
	[tilespmem:s31+$0x17FC0] =	vst v0  }
0x7c: {  	v0 =	vld [tilespmem:s29+$0x3E80];
	_ =	sdelay $0x7  }
0x7d: {  	s25 =	simm.s32 $0x80;
	s30 =	simm.s32 $0x0;
	s31 =	simm.s32 $0x10;
	v0 =	vld.idx.msk [tilespmem:v0+s7+$0x0], $0xffff  }
.LBB2_8:
0x7e: {  	p0 =	sne.s32 s25, $0x1F00;
	v1 =	vld [tilespmem:s31+$0x3E80];
	_ =	sdelay $0x3  }
.Ltmp3:
0x7f: {  	(pc) =	sbr.rel @p0 .LBB2_8-.Ltmp3, $2  }
0x80: {  	[tilespmem:s30+$0x18790] =	vst v0;
	s30 =	smov.u32 s31;
	_ =	sdelay $0x2  }
0x81: {  	s31 =	sshra.s32 s25, $0x2;
	s25 =	sadd.s32 $0x40, s25;
	v0 =	vld.idx.msk [tilespmem:v1+s7+$0x0], $0xffff  }
0x82: {  	v1 =	vld [tilespmem:s31+$0x3E80];
	_ =	sdelay $0x6  }
0x83: {  	[tilespmem:s30+$0x18790] =	vst v0  }
0x84: {  	v0 =	vld.idx.msk [tilespmem:v1+s7+$0x0], $0xffff;
	_ =	sdelay $0x4  }
0x85: {  	[tilespmem:s31+$0x18790] =	vst v0  }
0x86: {  	v0 =	vld [tilespmem:s29+$0x4650];
	_ =	sdelay $0x7  }
0x87: {  	s25 =	simm.s32 $0x80;
	s31 =	simm.s32 $0x10;
	v0 =	vld.idx.msk [tilespmem:v0+s7+$0x0], $0xffff  }
.LBB2_10:
0x88: {  	p0 =	sne.s32 s25, $0x1F00;
	v1 =	vld [tilespmem:s31+$0x4650];
	_ =	sdelay $0x3  }
.Ltmp4:
0x89: {  	(pc) =	sbr.rel @p0 .LBB2_10-.Ltmp4, $2  }
0x8a: {  	[tilespmem:s29+$0x18F60] =	vst v0;
	s29 =	smov.u32 s31;
	_ =	sdelay $0x2  }
0x8b: {  	s31 =	sshra.s32 s25, $0x2;
	s25 =	sadd.s32 $0x40, s25;
	v0 =	vld.idx.msk [tilespmem:v1+s7+$0x0], $0xffff  }
0x8c: {  	v1 =	vld [tilespmem:s31+$0x4650];
	_ =	sdelay $0x6  }
0x8d: {  	[tilespmem:s29+$0x18F60] =	vst v0  }
0x8e: {  	v0 =	vld.idx.msk [tilespmem:v1+s7+$0x0], $0xffff;
	_ =	sdelay $0x4  }
0x8f: {  	s25 =	simm.s32 $0x0;
	s30 =	simm.s32 $0x17020;
	s29 =	rddreg [dreg:$0x3];
	[tilespmem:s31+$0x18F60] =	vst v0  }
0x90: {  	[spmem:s29] =	stream.indirect.scatter.add.f32 [tilespmem:s30], [sflag:$0x6], $0x1, s25, s8, $0xb8;
	[tilespmem:$0x1EC30] =	vst v63  }
0x91: {  	_ = 	snop  }
0x92: {  	[tilespmem:s17], [sflag:$0x2] =	stream.indirect.gather [hbm4b:s21+s16], $0x10, s25, s16, $0xb8;
	[tilespmem:$0x1EC30] =	vst v63  }
0x93: {  	_ =	swait.ge [sflag:s18], $0x7D00  }
0x94: {  	[sflag:s18] =	ssyncset.done $0x0  }
0x95: {  	[sflag:s18] =	ssyncadd.s32 $0xFFFF8300  }
0x96: {  	[tilespmem:s19], [sflag:$0x3] =	stream.indirect.gather [hbm4b:s21+s16], $0x10, s16, s16, $0xb8;
	[tilespmem:$0x1EC30] =	vst v63  }
0x97: {  	_ = 	snop  }
0x98: {  	[spmem:s1] =	stream.indirect.scatter.add.f32 [tilespmem:s17], [sflag:$0x4], $0x10, s8, s16, $0xb8;
	[tilespmem:$0x1EC30] =	vst v63  }
0x99: {  	_ =	swait.ge [sflag:s20], $0x7D00  }
0x9a: {  	[sflag:s20] =	ssyncset.done $0x0  }
0x9b: {  	[sflag:s20] =	ssyncadd.s32 $0xFFFF8300  }
0x9c: {  	_ =	swait.ge [sflag:s23], $0x7D00  }
0x9d: {  	[sflag:s23] =	ssyncset.done $0x0  }
0x9e: {  	s29 =	simm.s32 $0xFA0;
	[sflag:s23] =	ssyncadd.s32 $0xFFFF8300  }
0x9f: {  	[tilespmem:s17], [sflag:$0x2] =	stream.indirect.gather [hbm4b:s21+s16], $0x10, s29, s16, $0xb8;
	[tilespmem:$0x1EC30] =	vst v63  }
0xa0: {  	_ = 	snop  }
0xa1: {  	[spmem:s1] =	stream.indirect.scatter.add.f32 [tilespmem:s19], [sflag:$0x5], $0x10, s9, s16, $0xb8;
	[tilespmem:$0x1EC30] =	vst v63  }
0xa2: {  	_ =	swait.ge [sflag:s18], $0x7D00  }
0xa3: {  	[sflag:s18] =	ssyncset.done $0x0  }
0xa4: {  	[sflag:s18] =	ssyncadd.s32 $0xFFFF8300  }
0xa5: {  	_ =	swait.ge [sflag:s28], $0x7D00  }
0xa6: {  	[sflag:s28] =	ssyncset.done $0x0  }
0xa7: {  	s29 =	simm.s32 $0x1770;
	[sflag:s28] =	ssyncadd.s32 $0xFFFF8300  }
0xa8: {  	[tilespmem:s19], [sflag:$0x3] =	stream.indirect.gather [hbm4b:s21+s16], $0x10, s29, s16, $0xb8;
	[tilespmem:$0x1EC30] =	vst v63  }
0xa9: {  	_ = 	snop  }
0xaa: {  	[spmem:s1] =	stream.indirect.scatter.add.f32 [tilespmem:s17], [sflag:$0x4], $0x10, s10, s16, $0xb8;
	[tilespmem:$0x1EC30] =	vst v63  }
0xab: {  	_ =	swait.ge [sflag:s20], $0x7D00  }
0xac: {  	[sflag:s20] =	ssyncset.done $0x0  }
0xad: {  	[sflag:s20] =	ssyncadd.s32 $0xFFFF8300  }
0xae: {  	_ =	swait.ge [sflag:s23], $0x7D00  }
0xaf: {  	[sflag:s23] =	ssyncset.done $0x0  }
0xb0: {  	s29 =	simm.s32 $0x1F40;
	[sflag:s23] =	ssyncadd.s32 $0xFFFF8300  }
0xb1: {  	[tilespmem:s17], [sflag:$0x2] =	stream.indirect.gather [hbm4b:s21+s16], $0x10, s29, s16, $0xb8;
	[tilespmem:$0x1EC30] =	vst v63  }
0xb2: {  	_ = 	snop  }
0xb3: {  	[spmem:s1] =	stream.indirect.scatter.add.f32 [tilespmem:s19], [sflag:$0x5], $0x10, s11, s16, $0xb8;
	[tilespmem:$0x1EC30] =	vst v63  }
0xb4: {  	_ =	swait.ge [sflag:s18], $0x7D00  }
0xb5: {  	[sflag:s18] =	ssyncset.done $0x0  }
0xb6: {  	[sflag:s18] =	ssyncadd.s32 $0xFFFF8300  }
0xb7: {  	[spmem:s1] =	stream.indirect.scatter.add.f32 [tilespmem:s17], [sflag:$0x4], $0x10, s12, s16, $0xb8;
	[tilespmem:$0x1EC30] =	vst v63  }
0xb8: {  	_ =	swait.ge [sflag:s23], $0x7D00  }
0xb9: {  	[sflag:s23] =	ssyncset.done $0x0  }
0xba: {  	[sflag:s23] =	ssyncadd.s32 $0xFFFF8300  }
0xbb: {  	_ =	swait.ge [sflag:s28], $0x7D00  }
0xbc: {  	[sflag:s28] =	ssyncset.done $0x0  }
0xbd: {  	[sflag:s28] =	ssyncadd.s32 $0xFFFF8300  }
0xbe: {  	_ =	swait.ge [sflag:s3], $0x2710  }
0xbf: {  	[sflag:s3] =	ssyncset.done $0x0  }
0xc0: {  	s29 =	rddreg [dreg:$0x15];
	[sflag:s3] =	ssyncadd.s32 $0xFFFFD8F0  }
0xc1: {  	[tilespmem:s7], [sflag:$0x1] =	stream.linear.gather [hbm4b:s29+s25], $0x2800, $0x38;
	[tilespmem:$0x1EC30] =	vst v63  }
0xc2: {  	s29 =	rddreg [dreg:$0x1d]  }
0xc3: {  	[tilespmem:s25], [sflag:$0x1] =	stream.linear.gather [hbm4b:s29+s25], $0x2710, $0x38;
	[tilespmem:$0x1EC30] =	vst v63  }
0xc4: {  	s29 =	rddreg [dreg:$0xb]  }
0xc5: {  	[tilespmem:s8], [sflag:$0x1] =	stream.linear.gather [hbm4b:s29+s25], $0x7D0, $0x38;
	[tilespmem:$0x1EC30] =	vst v63  }
0xc6: {  	s29 =	rddreg [dreg:$0xc]  }
0xc7: {  	[tilespmem:s9], [sflag:$0x1] =	stream.linear.gather [hbm4b:s29+s25], $0x7D0, $0x38;
	[tilespmem:$0x1EC30] =	vst v63  }
0xc8: {  	s29 =	rddreg [dreg:$0xd]  }
0xc9: {  	[tilespmem:s10], [sflag:$0x1] =	stream.linear.gather [hbm4b:s29+s25], $0x7D0, $0x38;
	[tilespmem:$0x1EC30] =	vst v63  }
0xca: {  	s29 =	rddreg [dreg:$0xe]  }
0xcb: {  	[tilespmem:s11], [sflag:$0x1] =	stream.linear.gather [hbm4b:s29+s25], $0x7D0, $0x38;
	[tilespmem:$0x1EC30] =	vst v63  }
0xcc: {  	s29 =	rddreg [dreg:$0xf]  }
0xcd: {  	[tilespmem:s12], [sflag:$0x1] =	stream.linear.gather [hbm4b:s29+s25], $0x7D0, $0x38;
	[tilespmem:$0x1EC30] =	vst v63  }
0xce: {  	_ =	swait.ge [sflag:s14], $0x2800  }
0xcf: {  	[sflag:s14] =	ssyncset.done $0x0  }
0xd0: {  	[sflag:s14] =	ssyncadd.s32 $0xFFFFD800  }
0xd1: {  	_ =	swait.ge [sflag:s14], $0x2710  }
0xd2: {  	[sflag:s14] =	ssyncset.done $0x0  }
0xd3: {  	[sflag:s14] =	ssyncadd.s32 $0xFFFFD8F0  }
0xd4: {  	_ =	swait.ge [sflag:s14], $0x7D0  }
0xd5: {  	[sflag:s14] =	ssyncset.done $0x0  }
0xd6: {  	[sflag:s14] =	ssyncadd.s32 $0xFFFFF830  }
0xd7: {  	_ =	swait.ge [sflag:s14], $0x7D0  }
0xd8: {  	[sflag:s14] =	ssyncset.done $0x0  }
0xd9: {  	[sflag:s14] =	ssyncadd.s32 $0xFFFFF830  }
0xda: {  	_ =	swait.ge [sflag:s14], $0x7D0  }
0xdb: {  	[sflag:s14] =	ssyncset.done $0x0  }
0xdc: {  	[sflag:s14] =	ssyncadd.s32 $0xFFFFF830  }
0xdd: {  	_ =	swait.ge [sflag:s14], $0x7D0  }
0xde: {  	[sflag:s14] =	ssyncset.done $0x0  }
0xdf: {  	[sflag:s14] =	ssyncadd.s32 $0xFFFFF830  }
0xe0: {  	_ =	swait.ge [sflag:s14], $0x7D0  }
0xe1: {  	[sflag:s14] =	ssyncset.done $0x0  }
0xe2: {  	s29 =	simm.s32 $0x0;
	[sflag:s14] =	ssyncadd.s32 $0xFFFFF830  }
0xe3: {  	v0 =	vld [tilespmem:s29+$0x2710];
	_ =	sdelay $0x7  }
0xe4: {  	s31 =	simm.s32 $0x10;
	s30 =	simm.s32 $0x0;
	s25 =	simm.s32 $0x80;
	v0 =	vld.idx.msk [tilespmem:v0+s7+$0x0], $0xffff  }
.LBB2_12:
0xe5: {  	p0 =	sne.s32 s25, $0x1F00;
	v1 =	vld [tilespmem:s31+$0x2710];
	_ =	sdelay $0x3  }
.Ltmp5:
0xe6: {  	(pc) =	sbr.rel @p0 .LBB2_12-.Ltmp5, $2  }
0xe7: {  	[tilespmem:s30+$0x17020] =	vst v0;
	s30 =	smov.u32 s31;
	_ =	sdelay $0x2  }
0xe8: {  	s31 =	sshra.s32 s25, $0x2;
	s25 =	sadd.s32 $0x40, s25;
	v0 =	vld.idx.msk [tilespmem:v1+s7+$0x0], $0xffff  }
0xe9: {  	v1 =	vld [tilespmem:s31+$0x2710];
	_ =	sdelay $0x6  }
0xea: {  	[tilespmem:s30+$0x17020] =	vst v0  }
0xeb: {  	v0 =	vld.idx.msk [tilespmem:v1+s7+$0x0], $0xffff;
	_ =	sdelay $0x4  }
0xec: {  	[tilespmem:s31+$0x17020] =	vst v0  }
0xed: {  	v0 =	vld [tilespmem:s29+$0x2EE0];
	_ =	sdelay $0x7  }
0xee: {  	s25 =	simm.s32 $0x80;
	s31 =	simm.s32 $0x10;
	v0 =	vld.idx.msk [tilespmem:v0+s7+$0x0], $0xffff  }
.LBB2_14:
0xef: {  	p0 =	sne.s32 s25, $0x1F00;
	v1 =	vld [tilespmem:s31+$0x2EE0];
	_ =	sdelay $0x3  }
.Ltmp6:
0xf0: {  	(pc) =	sbr.rel @p0 .LBB2_14-.Ltmp6, $2  }
0xf1: {  	[tilespmem:s29+$0x177F0] =	vst v0;
	s29 =	smov.u32 s31;
	_ =	sdelay $0x2  }
0xf2: {  	s31 =	sshra.s32 s25, $0x2;
	s25 =	sadd.s32 $0x40, s25;
	v0 =	vld.idx.msk [tilespmem:v1+s7+$0x0], $0xffff  }
0xf3: {  	v1 =	vld [tilespmem:s31+$0x2EE0];
	_ =	sdelay $0x6  }
0xf4: {  	[tilespmem:s29+$0x177F0] =	vst v0  }
0xf5: {  	v0 =	vld.idx.msk [tilespmem:v1+s7+$0x0], $0xffff;
	_ =	sdelay $0x4  }
0xf6: {  	s29 =	simm.s32 $0x0;
	[tilespmem:s31+$0x177F0] =	vst v0  }
0xf7: {  	v0 =	vld [tilespmem:s29+$0x36B0];
	_ =	sdelay $0x7  }
0xf8: {  	s25 =	simm.s32 $0x80;
	s30 =	simm.s32 $0x0;
	s31 =	simm.s32 $0x10;
	v0 =	vld.idx.msk [tilespmem:v0+s7+$0x0], $0xffff  }
.LBB2_16:
0xf9: {  	p0 =	sne.s32 s25, $0x1F00;
	v1 =	vld [tilespmem:s31+$0x36B0];
	_ =	sdelay $0x3  }
.Ltmp7:
0xfa: {  	(pc) =	sbr.rel @p0 .LBB2_16-.Ltmp7, $2  }
0xfb: {  	[tilespmem:s30+$0x17FC0] =	vst v0;
	s30 =	smov.u32 s31;
	_ =	sdelay $0x2  }
0xfc: {  	s31 =	sshra.s32 s25, $0x2;
	s25 =	sadd.s32 $0x40, s25;
	v0 =	vld.idx.msk [tilespmem:v1+s7+$0x0], $0xffff  }
0xfd: {  	v1 =	vld [tilespmem:s31+$0x36B0];
	_ =	sdelay $0x6  }
0xfe: {  	[tilespmem:s30+$0x17FC0] =	vst v0  }
0xff: {  	v0 =	vld.idx.msk [tilespmem:v1+s7+$0x0], $0xffff;
	_ =	sdelay $0x4  }
0x100: {  	[tilespmem:s31+$0x17FC0] =	vst v0  }
0x101: {  	v0 =	vld [tilespmem:s29+$0x3E80];
	_ =	sdelay $0x7  }
0x102: {  	s25 =	simm.s32 $0x10;
	s30 =	simm.s32 $0x80;
	v0 =	vld.idx.msk [tilespmem:v0+s7+$0x0], $0xffff  }
.LBB2_18:
0x103: {  	p0 =	sne.s32 s30, $0x1F00;
	v1 =	vld [tilespmem:s25+$0x3E80];
	_ =	sdelay $0x3  }
.Ltmp8:
0x104: {  	(pc) =	sbr.rel @p0 .LBB2_18-.Ltmp8, $2  }
0x105: {  	[tilespmem:s29+$0x18790] =	vst v0;
	s29 =	smov.u32 s25;
	_ =	sdelay $0x2  }
0x106: {  	s25 =	sshra.s32 s30, $0x2;
	s30 =	sadd.s32 $0x40, s30;
	v0 =	vld.idx.msk [tilespmem:v1+s7+$0x0], $0xffff  }
0x107: {  	v1 =	vld [tilespmem:s25+$0x3E80];
	_ =	sdelay $0x6  }
0x108: {  	[tilespmem:s29+$0x18790] =	vst v0  }
0x109: {  	v0 =	vld.idx.msk [tilespmem:v1+s7+$0x0], $0xffff;
	_ =	sdelay $0x4  }
0x10a: {  	s29 =	simm.s32 $0x0;
	[tilespmem:s25+$0x18790] =	vst v0  }
0x10b: {  	v0 =	vld [tilespmem:s29+$0x4650];
	_ =	sdelay $0x7  }
0x10c: {  	s31 =	simm.s32 $0x10;
	s25 =	simm.s32 $0x80;
	v0 =	vld.idx.msk [tilespmem:v0+s7+$0x0], $0xffff  }
.LBB2_20:
0x10d: {  	p0 =	sne.s32 s25, $0x1F00;
	v1 =	vld [tilespmem:s31+$0x4650];
	_ =	sdelay $0x3  }
.Ltmp9:
0x10e: {  	(pc) =	sbr.rel @p0 .LBB2_20-.Ltmp9, $2  }
0x10f: {  	[tilespmem:s29+$0x18F60] =	vst v0;
	s29 =	smov.u32 s31;
	_ =	sdelay $0x2  }
0x110: {  	s31 =	sshra.s32 s25, $0x2;
	s25 =	sadd.s32 $0x40, s25;
	v0 =	vld.idx.msk [tilespmem:v1+s7+$0x0], $0xffff  }
0x111: {  	v1 =	vld [tilespmem:s31+$0x4650];
	_ =	sdelay $0x6  }
0x112: {  	[tilespmem:s29+$0x18F60] =	vst v0  }
0x113: {  	v0 =	vld.idx.msk [tilespmem:v1+s7+$0x0], $0xffff;
	_ =	sdelay $0x4  }
0x114: {  	s25 =	rddreg [dreg:$0x4];
	s30 =	simm.s32 $0x17020;
	[tilespmem:s31+$0x18F60] =	vst v0  }
0x115: {  	[spmem:s25] =	stream.indirect.scatter.add.f32 [tilespmem:s30], [sflag:$0x6], $0x1, s6, s8, $0xb8;
	[tilespmem:$0x1EC30] =	vst v63  }
0x116: {  	_ = 	snop  }
0x117: {  	[tilespmem:s17], [sflag:$0x2] =	stream.indirect.gather [hbm4b:s22+s16], $0x10, s6, s16, $0xb8;
	[tilespmem:$0x1EC30] =	vst v63  }
0x118: {  	_ =	swait.ge [sflag:s18], $0x7D00  }
0x119: {  	[sflag:s18] =	ssyncset.done $0x0  }
0x11a: {  	[sflag:s18] =	ssyncadd.s32 $0xFFFF8300  }
0x11b: {  	[tilespmem:s19], [sflag:$0x3] =	stream.indirect.gather [hbm4b:s22+s16], $0x10, s16, s16, $0xb8;
	[tilespmem:$0x1EC30] =	vst v63  }
0x11c: {  	_ = 	snop  }
0x11d: {  	[spmem:s2] =	stream.indirect.scatter.add.f32 [tilespmem:s17], [sflag:$0x4], $0x10, s8, s16, $0xb8;
	[tilespmem:$0x1EC30] =	vst v63  }
0x11e: {  	_ =	swait.ge [sflag:s20], $0x7D00  }
0x11f: {  	[sflag:s20] =	ssyncset.done $0x0  }
0x120: {  	[sflag:s20] =	ssyncadd.s32 $0xFFFF8300  }
0x121: {  	_ =	swait.ge [sflag:s23], $0x7D00  }
0x122: {  	[sflag:s23] =	ssyncset.done $0x0  }
0x123: {  	s31 =	simm.s32 $0xFA0;
	[sflag:s23] =	ssyncadd.s32 $0xFFFF8300  }
0x124: {  	[tilespmem:s17], [sflag:$0x2] =	stream.indirect.gather [hbm4b:s22+s16], $0x10, s31, s16, $0xb8;
	[tilespmem:$0x1EC30] =	vst v63  }
0x125: {  	_ = 	snop  }
0x126: {  	[spmem:s2] =	stream.indirect.scatter.add.f32 [tilespmem:s19], [sflag:$0x5], $0x10, s9, s16, $0xb8;
	[tilespmem:$0x1EC30] =	vst v63  }
0x127: {  	_ =	swait.ge [sflag:s18], $0x7D00  }
0x128: {  	[sflag:s18] =	ssyncset.done $0x0  }
0x129: {  	[sflag:s18] =	ssyncadd.s32 $0xFFFF8300  }
0x12a: {  	_ =	swait.ge [sflag:s28], $0x7D00  }
0x12b: {  	[sflag:s28] =	ssyncset.done $0x0  }
0x12c: {  	s29 =	simm.s32 $0x1770;
	[sflag:s28] =	ssyncadd.s32 $0xFFFF8300  }
0x12d: {  	[tilespmem:s19], [sflag:$0x3] =	stream.indirect.gather [hbm4b:s22+s16], $0x10, s29, s16, $0xb8;
	[tilespmem:$0x1EC30] =	vst v63  }
0x12e: {  	_ = 	snop  }
0x12f: {  	[spmem:s2] =	stream.indirect.scatter.add.f32 [tilespmem:s17], [sflag:$0x4], $0x10, s10, s16, $0xb8;
	[tilespmem:$0x1EC30] =	vst v63  }
0x130: {  	_ =	swait.ge [sflag:s20], $0x7D00  }
0x131: {  	[sflag:s20] =	ssyncset.done $0x0  }
0x132: {  	[sflag:s20] =	ssyncadd.s32 $0xFFFF8300  }
0x133: {  	_ =	swait.ge [sflag:s23], $0x7D00  }
0x134: {  	[sflag:s23] =	ssyncset.done $0x0  }
0x135: {  	s30 =	simm.s32 $0x1F40;
	[sflag:s23] =	ssyncadd.s32 $0xFFFF8300  }
0x136: {  	[tilespmem:s17], [sflag:$0x2] =	stream.indirect.gather [hbm4b:s22+s16], $0x10, s30, s16, $0xb8;
	[tilespmem:$0x1EC30] =	vst v63  }
0x137: {  	_ = 	snop  }
0x138: {  	[spmem:s2] =	stream.indirect.scatter.add.f32 [tilespmem:s19], [sflag:$0x5], $0x10, s11, s16, $0xb8;
	[tilespmem:$0x1EC30] =	vst v63  }
0x139: {  	_ =	swait.ge [sflag:s18], $0x7D00  }
0x13a: {  	[sflag:s18] =	ssyncset.done $0x0  }
0x13b: {  	[sflag:s18] =	ssyncadd.s32 $0xFFFF8300  }
0x13c: {  	[spmem:s2] =	stream.indirect.scatter.add.f32 [tilespmem:s17], [sflag:$0x4], $0x10, s12, s16, $0xb8;
	[tilespmem:$0x1EC30] =	vst v63  }
0x13d: {  	_ =	swait.ge [sflag:s23], $0x7D00  }
0x13e: {  	[sflag:s23] =	ssyncset.done $0x0  }
0x13f: {  	[sflag:s23] =	ssyncadd.s32 $0xFFFF8300  }
0x140: {  	_ =	swait.ge [sflag:s28], $0x7D00  }
0x141: {  	[sflag:s28] =	ssyncset.done $0x0  }
0x142: {  	[sflag:s28] =	ssyncadd.s32 $0xFFFF8300  }
0x143: {  	_ =	swait.ge [sflag:s3], $0x2710  }
0x144: {  	[sflag:s3] =	ssyncset.done $0x0  }
0x145: {  	[sflag:s3] =	ssyncadd.s32 $0xFFFFD8F0  }
0x146: {  	[bflag:$0x0] =	sbarrier.arrive $0xFFFF  }
0x147: {  	s31 =	rddreg [dreg:$0x10]  }
0x148: {  	[hbm:s31], [sflag:s26] =	dma.local [spmem:s4], $0x500  }
0x149: {  	_ =	swait.ge [sflag:s13], $0x500  }
0x14a: {  	[sflag:s13] =	ssyncset.done $0x0  }
0x14b: {  	s25 =	rddreg [dreg:$0x11];
	[sflag:s13] =	ssyncadd.s32 $0xFFFFFB00  }
0x14c: {  	[hbm:s25], [sflag:s26] =	dma.local [spmem:s5], $0x500  }
0x14d: {  	_ =	swait.ge [sflag:s13], $0x500  }
0x14e: {  	[sflag:s13] =	ssyncset.done $0x0  }
0x14f: {  	s29 =	rddreg [dreg:$0x12];
	[sflag:s13] =	ssyncadd.s32 $0xFFFFFB00  }
0x150: {  	[hbm:s29], [sflag:s26] =	dma.local [spmem:s15], $0x50  }
0x151: {  	_ =	swait.ge [sflag:s13], $0x50  }
0x152: {  	[sflag:s13] =	ssyncset.done $0x0  }
0x153: {  	s30 =	rddreg [dreg:$0x13];
	[sflag:s13] =	ssyncadd.s32 $0xFFFFFFB0  }
0x154: {  	[hbm:s30], [sflag:s26] =	dma.local [spmem:s24], $0x50  }
0x155: {  	_ =	swait.ge [sflag:s13], $0x50  }
0x156: {  	s0 =	sadd.s32 $0x1, s0;
	s31 =	rddreg [dreg:$0x1e]  }
0x157: {  	p0 =	sne.s32 s0, s31  }
.Ltmp10:
0x158: {  	_ = 	snop;
	(pc) =	sbr.rel @p0 .LBB2_1-.Ltmp10, $3  }
0x159: {  	_ =	sdelay $0x1  }
0x15a: {  	[sflag:s13] =	ssyncset.done $0x0  }
0x15b: {  	[sflag:s13] =	ssyncadd.s32 $0xFFFFFFB0  }
0x15c: {  	_ =	sfence.sel $0x180000  }
0x15d: {  	[bflag:$0x0] =	sbarrier.arrive $0xFFFF  }
0x15e: {  	_ =	strace $0x9000004A  }
0x15f: {  	s0 =	stileid.u32;
	[bflag:$0x2] =	sbarrier.arrive $0xFFFF  }
0x160: {  	p0 =	sne.s32 s0, $0x0;
	s0 =	rddreg [dreg:$0x5]  }
0x161: {  	s0 =	sadd.s32 @!p0 $0x100000, s0  }
0x162: {  	[sflag:s0] =	ssyncadd.tile.s32 @!p0 $0x1;
	_ =	shalt  }
.Lfunc_end2:
_tile_overlayer_lowered:
.L_overlay_start_2:
0x163: {  	(tag) =	ssettag $0x2  }
0x164: {  	s0 =	rddreg [dreg:$0x0];
	s2 =	stileid.u32  }
0x165: {  	s1 =	rddreg [dreg:$0x1];
	p0 =	sne.s32 s2, $0x0  }
0x166: {  	s3 =	rddreg [dreg:$0x2];
	[bflag:$0x3] =	sbarrier.arrive $0xFFFF;
	s2 =	simm.s32 @!p0 $0x1C07  }
0x167: {  	[timem:s3], [sflag:s2] =	dma.local @!p0 [hbm:s0], s1  }
0x168: {  	s0 =	simm.s32 @!p0 $0x7  }
0x169: {  	_ =	swait.ge @!p0 [sflag:s0], s1  }
0x16a: {  	s1 =	ssub.s32 @!p0 $0x0, s1;
	[sflag:s0] =	ssyncset.done @!p0 $0x0  }
0x16b: {  	[sflag:s0] =	ssyncadd.s32 @!p0 s1  }
0x16c: {  	[bflag:$0x3] =	sbarrier.arrive $0xFFFF  }
0x16d: {  	_ =	shalt  }

</sc_bundles>
